<compile_context>
chip_gen: v7x
topology: tpu7x:2x2x1
jax: 0.10.2.dev20260603
libtpu: 0.0.44.dev20260713+nightly
codegen_flags: <defaults>
</compile_context>

<pallas_src>
import functools
import numpy as np
import jax
from jax import lax
import jax.numpy as jnp
from jax.experimental import pallas as pl
from jax.experimental.pallas import tpu as pltpu
from jax.experimental.pallas import tpu_sc as plsc

N_SPECIES = 20
EMB_DIM = 64
N_RBF = 16
N_CONV = 3
A = 24
PAIRS = A * A
APAD = 128
PPAD = 640
BLK = 64
PACKP = BLK * PPAD

_DN_KM = (((0,), (0,)), ((), ()))


def _softplus(v):
    return jnp.maximum(v, 0.0) + jnp.log1p(jnp.exp(-jnp.abs(v)))


def _sc_embed_gather(table_hbm, idx_hbm, out_hbm, idx_v, rows_v, sem):
    wid = lax.axis_index("s") * 2 + lax.axis_index("c")
    base = wid * _B_PER_W
    pltpu.sync_copy(idx_hbm.at[pl.ds(base, _B_PER_W)], idx_v)
    pltpu.async_copy(table_hbm.at[idx_v], rows_v, sem).wait()
    pltpu.sync_copy(rows_v, out_hbm.at[pl.ds(base, _B_PER_W)])


def _mpinn_kernel(post_ref, sd_ref, mask_ref, h0_ref, emb_ref, Wc1_ref,
                  bc1_ref, Wc2_ref, bc2_ref, Wu1_ref, bu1_ref, Wu2_ref,
                  bu2_ref, Wp1_ref, bp1_ref, wp2_ref, bp2_ref, out_ref):
    post = post_ref[:, 0, 0, :]
    sd = sd_ref[...]
    d = jnp.concatenate(
        [jnp.dot(post[:, m * APAD:(m + 1) * APAD], sd,
                 preferred_element_type=jnp.float32) for m in range(BLK)],
        axis=1)
    d2 = jnp.sum(d * d, axis=0, keepdims=True)
    dist = jnp.sqrt(d2 + 1e-12)
    centers = jax.lax.broadcasted_iota(
        jnp.int32, (N_RBF, 1), 0).astype(jnp.float32) * (5.0 / (N_RBF - 1))
    rbfT = jnp.exp(-2.0 * (dist - centers) ** 2)
    gT = _softplus(jax.lax.dot_general(
        Wc1_ref[...], rbfT, _DN_KM,
        preferred_element_type=jnp.float32) + bc1_ref[...])
    gT = gT * mask_ref[...]
    f = jax.lax.dot_general(gT, Wc2_ref[...], _DN_KM,
                            preferred_element_type=jnp.float32)

    h = h0_ref[:, :EMB_DIM]

    f5 = (f.reshape(BLK, PPAD, EMB_DIM)[:, :PAIRS, :]
          .reshape(BLK, A, A, EMB_DIM))
    for _ in range(N_CONV):
        h4 = h.reshape(BLK, A, EMB_DIM)
        hj = h4.reshape(BLK, A, 1, EMB_DIM)
        msg = jnp.sum(f5 * hj, axis=1).reshape(BLK * A, EMB_DIM)
        q = jnp.dot(bc2_ref[...] * h, Wu1_ref[...],
                    preferred_element_type=jnp.float32)
        qs = jnp.sum(q.reshape(BLK, A, EMB_DIM), axis=1, keepdims=True)
        qc = (jnp.broadcast_to(qs, (BLK, A, EMB_DIM))
              .reshape(BLK * A, EMB_DIM) - q)
        u = _softplus(jnp.dot(msg, Wu1_ref[...],
                              preferred_element_type=jnp.float32)
                      + qc + bu1_ref[...])
        u = jnp.dot(u, Wu2_ref[...],
                    preferred_element_type=jnp.float32) + bu2_ref[...]
        h = h + u

    node = _softplus(jnp.dot(h, Wp1_ref[...],
                             preferred_element_type=jnp.float32) + bp1_ref[...])
    val = jnp.sum(node * wp2_ref[...], axis=1, keepdims=True) + bp2_ref[...]
    out_ref[...] = jnp.sum(val.reshape(BLK, A, 1), axis=1)


_B_PER_W = 1024 * A // 32


def kernel(x, emb, Wc1, bc1, Wc2, bc2, Wu1, bu1, Wu2, bu2, Wp1, bp1, Wp2, bp2):
    B = x.shape[0]
    nb = B // BLK
    species = x[..., 0].astype(jnp.int32).reshape(B * A)
    pos = x[..., 1:4]

    emb128 = jnp.pad(emb, ((0, 0), (0, 128 - EMB_DIM)))
    sc_gather = functools.partial(
        pl.kernel,
        mesh=plsc.VectorSubcoreMesh(core_axis_name="c", subcore_axis_name="s"),
        out_type=jax.ShapeDtypeStruct((B * A, 128), jnp.float32),
        scratch_types=[
            pltpu.VMEM((_B_PER_W,), jnp.int32),
            pltpu.VMEM((_B_PER_W, 128), jnp.float32),
            pltpu.SemaphoreType.DMA,
        ],
    )(_sc_embed_gather)
    h0 = sc_gather(emb128, species)

    post = jnp.pad(pos.transpose(2, 0, 1),
                   ((0, 0), (0, 0), (0, APAD - A)))
    post = post.reshape(3, nb, 1, BLK * APAD)

    pidx = jnp.arange(PPAD, dtype=jnp.int32)
    ii = jnp.where(pidx < PAIRS, pidx % A, A)
    jj = jnp.where(pidx < PAIRS, pidx // A, A)
    aa = jnp.arange(APAD, dtype=jnp.int32)[:, None]
    sd = ((aa == ii[None, :]).astype(jnp.float32)
          - (aa == jj[None, :]).astype(jnp.float32))

    mvec = jnp.where((pidx < PAIRS) & (pidx % (A + 1) != 0), 1.0, 0.0)
    mask = jnp.tile(mvec, BLK).reshape(1, PACKP).astype(jnp.float32)

    full = lambda a: pl.BlockSpec(a.shape, lambda i: (0,) * a.ndim)
    out = pl.pallas_call(
        _mpinn_kernel,
        grid=(nb,),
        in_specs=[
            pl.BlockSpec((3, 1, 1, BLK * APAD), lambda i: (0, i, 0, 0)),
            full(sd),
            full(mask),
            pl.BlockSpec((BLK * A, 128), lambda i: (i, 0)),
            full(emb), full(Wc1), full(bc1.reshape(-1, 1)), full(Wc2),
            full(bc2.reshape(1, -1)), full(Wu1), full(bu1.reshape(1, -1)),
            full(Wu2), full(bu2.reshape(1, -1)), full(Wp1),
            full(bp1.reshape(1, -1)), full(Wp2.reshape(1, EMB_DIM)),
            full(bp2.reshape(1, 1)),
        ],
        out_specs=pl.BlockSpec((BLK, 1), lambda i: (i, 0)),
        out_shape=jax.ShapeDtypeStruct((B, 1), jnp.float32),
        compiler_params=pltpu.CompilerParams(
            dimension_semantics=("parallel",)),
    )(post, sd, mask, h0, emb, Wc1, bc1.reshape(-1, 1), Wc2,
      bc2.reshape(1, -1), Wu1, bu1.reshape(1, -1), Wu2, bu2.reshape(1, -1),
      Wp1, bp1.reshape(1, -1), Wp2.reshape(1, EMB_DIM), bp2.reshape(1, 1))
    return out.reshape(B)

# --- scband reference (transcript-rebuilt; emitter-appended) ---
"""Pipeline reference for scband-mpinn-25786983645313 (READ-ONLY COPY).

The authoritative reference and input builder live on the scoring server;
editing this copy changes nothing except your own understanding.
"""

import jax, jax.numpy as jnp
import numpy as np

N_SPECIES = 20
EMB_DIM = 64
N_RBF = 16
N_CONV = 3
CENTERS = jnp.linspace(0.0, 5.0, N_RBF)
WIDTHS = jnp.full((N_RBF,), 0.5)


def setup_inputs(seed: int = 0) -> dict:
    key = jax.random.key(seed)
    ks = jax.random.split(key, 12)
    B, A = 1024, 24
    species = jax.random.randint(ks[0], (B, A), 0, N_SPECIES)
    pos = jax.random.normal(ks[1], (B, A, 3), dtype=jnp.float32) * 2.0
    x = jnp.concatenate([species.astype(jnp.float32)[..., None], pos], axis=-1)
    emb = jax.random.normal(ks[2], (N_SPECIES, EMB_DIM), dtype=jnp.float32) * 0.1
    Wc1 = jax.random.normal(ks[3], (N_RBF, 32), dtype=jnp.float32) / np.sqrt(N_RBF)
    bc1 = jnp.zeros((32,), dtype=jnp.float32)
    Wc2 = jax.random.normal(ks[4], (32, EMB_DIM), dtype=jnp.float32) / np.sqrt(32.0)
    bc2 = jnp.zeros((EMB_DIM,), dtype=jnp.float32)
    Wu1 = jax.random.normal(ks[5], (EMB_DIM, EMB_DIM), dtype=jnp.float32) / np.sqrt(EMB_DIM)
    bu1 = jnp.zeros((EMB_DIM,), dtype=jnp.float32)
    Wu2 = jax.random.normal(ks[6], (EMB_DIM, EMB_DIM), dtype=jnp.float32) / np.sqrt(EMB_DIM)
    bu2 = jnp.zeros((EMB_DIM,), dtype=jnp.float32)
    Wp1 = jax.random.normal(ks[7], (EMB_DIM, EMB_DIM), dtype=jnp.float32) / np.sqrt(EMB_DIM)
    bp1 = jnp.zeros((EMB_DIM,), dtype=jnp.float32)
    Wp2 = jax.random.normal(ks[8], (EMB_DIM, 1), dtype=jnp.float32) / np.sqrt(EMB_DIM)
    bp2 = jnp.zeros((1,), dtype=jnp.float32)
    return {"x": x, "emb": emb, "Wc1": Wc1, "bc1": bc1, "Wc2": Wc2, "bc2": bc2,
            "Wu1": Wu1, "bu1": bu1, "Wu2": Wu2, "bu2": bu2,
            "Wp1": Wp1, "bp1": bp1, "Wp2": Wp2, "bp2": bp2}


def reference(x, emb, Wc1, bc1, Wc2, bc2, Wu1, bu1, Wu2, bu2, Wp1, bp1, Wp2, bp2):
    # MolecularEmbedding: species indices packed in channel 0, xyz in channels 1:4
    species = jax.lax.stop_gradient(x[..., 0]).astype(jnp.int32)
    pos = x[..., 1:4]
    h = jnp.take(emb, species, axis=0)  # [B, A, D] embedding gather
    A = pos.shape[1]
    eye = jnp.eye(A, dtype=bool)
    # MessagePassing applied n_convolutions times with shared weights
    for _ in range(N_CONV):
        diff = pos[:, :, None, :] - pos[:, None, :, :]
        dist = jnp.sqrt(jnp.sum(diff * diff, axis=-1) + 1e-12)  # [B, A, A]
        rbf = jnp.exp(-((dist[..., None] - CENTERS) ** 2) / (2.0 * WIDTHS ** 2))  # [B, A, A, N_RBF]
        f = jax.nn.softplus(rbf @ Wc1 + bc1)  # convolve_net layer 1
        f = f @ Wc2 + bc2                     # convolve_net layer 2 -> [B, A, A, D]
        f = jnp.where(eye[None, :, :, None], 0.0, f)  # no self-message
        msg = jnp.einsum('bijd,bjd->bid', f, h)       # aggregate over neighbors
        u = jax.nn.softplus(msg @ Wu1 + bu1)          # update_net layer 1
        u = u @ Wu2 + bu2                             # update_net layer 2
        h = h + u
    # NodePool: returns (per-node contributions, pooled isotropic constant); take index [1]
    node = jax.nn.softplus(h @ Wp1 + bp1)
    node = (node @ Wp2 + bp2)[..., 0]  # [B, A]
    c_iso = jnp.sum(node, axis=1)      # [B]
    return c_iso

if __name__ == "__main__":
    import jax
    _d = setup_inputs()
    print(jax.jit(kernel)(*tuple(_d.values())))

</pallas_src>

<mosaic_0001>
#map = affine_map<(d0, d1) -> (0, 0)>
#map1 = affine_map<(d0, d1) -> (0)>
module attributes {stable_mosaic.version = 14 : i64} {
  func.func @_sc_embed_gather(%arg0: i32, %arg1: i32, %arg2: memref<20x128xf32, #tpu.memory_space<hbm>>, %arg3: memref<24576xi32, #tpu.memory_space<hbm>>, %arg4: memref<24576x128xf32, #tpu.memory_space<hbm>>, %arg5: memref<768xi32, #tpu.memory_space<vmem>>, %arg6: memref<768x128xf32, #tpu.memory_space<vmem>>, %arg7: memref<!tpu.dma_semaphore, #tpu.memory_space<semaphore_mem>>) attributes {dimension_semantics = [#tpu.dimension_semantics<core_parallel>, #tpu.dimension_semantics<subcore_parallel>], iteration_bounds = array<i64: 2, 16>, scalar_prefetch = 0 : i64, scratch_operands = 3 : i64, tpu.core_type = #tpu.core_type<sc_vector_subcore>, window_params = [{transform_indices = #map}, {transform_indices = #map1}, {transform_indices = #map}]} {
    %mul3A = arith.constant 2 : i32
    %mul3A_0 = arith.muli %arg1, %mul3A : i32
    %add3A = arith.addi %mul3A_0, %arg0 : i32
    %mul3A_1 = arith.constant 768 : i32
    %mul3A_2 = arith.muli %add3A, %mul3A_1 : i32
    "tpu.region"() ({
      %run_scoped3A = tpu.sem_alloc : memref<!tpu.dma_semaphore, #tpu.memory_space<semaphore_mem>>
      %dma_start3A_7 = tpu.memref_slice %arg3[%mul3A_2] : memref<24576xi32, #tpu.memory_space<hbm>> -> memref<768xi32, #tpu.memory_space<hbm>>
      %dma_start3A_8 = tpu.memref_slice %arg3[%mul3A_2] : memref<24576xi32, #tpu.memory_space<hbm>> -> memref<768xi32, #tpu.memory_space<hbm>>
      tpu.enqueue_dma source(%dma_start3A_8 : memref<768xi32, #tpu.memory_space<hbm>>) target(%arg5 : memref<768xi32, #tpu.memory_space<vmem>>) target_semaphore(%run_scoped3A : memref<!tpu.dma_semaphore, #tpu.memory_space<semaphore_mem>>)
      %dma_wait3A_9 = tpu.memref_slice %arg3[%mul3A_2] : memref<24576xi32, #tpu.memory_space<hbm>> -> memref<768xi32, #tpu.memory_space<hbm>>
      %dma_wait3A_10 = tpu.memref_slice %arg3[%mul3A_2] : memref<24576xi32, #tpu.memory_space<hbm>> -> memref<768xi32, #tpu.memory_space<hbm>>
      tpu.wait_dma2 semaphore(%run_scoped3A : memref<!tpu.dma_semaphore, #tpu.memory_space<semaphore_mem>>) src(%dma_wait3A_10 : memref<768xi32, #tpu.memory_space<hbm>>) dst(%arg5 : memref<768xi32, #tpu.memory_space<vmem>>)
      tpu.yield
    }) : () -> ()
    %dma_start3A = arith.constant 0 : i32
    %dma_start3A_3 = arith.constant 0 : i32
    %dma_start3A_4 = tpu.memref_slice %arg2[%dma_start3A, %dma_start3A_3] : memref<20x128xf32, #tpu.memory_space<hbm>> -> memref<20x128xf32, #tpu.memory_space<hbm>>
    tpu.enqueue_indirect_dma source(%dma_start3A_4 : memref<20x128xf32, #tpu.memory_space<hbm>>) target(%arg6 : memref<768x128xf32, #tpu.memory_space<vmem>>) offsets(%arg5 : memref<768xi32, #tpu.memory_space<vmem>>) semaphore(%arg7 : memref<!tpu.dma_semaphore, #tpu.memory_space<semaphore_mem>>)
    %dma_wait3A = arith.constant 0 : i32
    %dma_wait3A_5 = arith.constant 0 : i32
    %dma_wait3A_6 = tpu.memref_slice %arg2[%dma_wait3A, %dma_wait3A_5] : memref<20x128xf32, #tpu.memory_space<hbm>> -> memref<20x128xf32, #tpu.memory_space<hbm>>
    tpu.wait_indirect_dma semaphore(%arg7 : memref<!tpu.dma_semaphore, #tpu.memory_space<semaphore_mem>>) src(%dma_wait3A_6 : memref<20x128xf32, #tpu.memory_space<hbm>>) dst(%arg6 : memref<768x128xf32, #tpu.memory_space<vmem>>)
    "tpu.region"() ({
      %run_scoped3A = tpu.sem_alloc : memref<!tpu.dma_semaphore, #tpu.memory_space<semaphore_mem>>
      %dma_start3A_7 = arith.constant 0 : i32
      %dma_start3A_8 = tpu.memref_slice %arg4[%mul3A_2, %dma_start3A_7] : memref<24576x128xf32, #tpu.memory_space<hbm>> -> memref<768x128xf32, #tpu.memory_space<hbm>>
      %dma_start3A_9 = arith.constant 0 : i32
      %dma_start3A_10 = tpu.memref_slice %arg4[%mul3A_2, %dma_start3A_9] : memref<24576x128xf32, #tpu.memory_space<hbm>> -> memref<768x128xf32, #tpu.memory_space<hbm>>
      tpu.enqueue_dma source(%arg6 : memref<768x128xf32, #tpu.memory_space<vmem>>) target(%dma_start3A_10 : memref<768x128xf32, #tpu.memory_space<hbm>>) target_semaphore(%run_scoped3A : memref<!tpu.dma_semaphore, #tpu.memory_space<semaphore_mem>>)
      %dma_wait3A_11 = arith.constant 0 : i32
      %dma_wait3A_12 = tpu.memref_slice %arg4[%mul3A_2, %dma_wait3A_11] : memref<24576x128xf32, #tpu.memory_space<hbm>> -> memref<768x128xf32, #tpu.memory_space<hbm>>
      %dma_wait3A_13 = arith.constant 0 : i32
      %dma_wait3A_14 = tpu.memref_slice %arg4[%mul3A_2, %dma_wait3A_13] : memref<24576x128xf32, #tpu.memory_space<hbm>> -> memref<768x128xf32, #tpu.memory_space<hbm>>
      tpu.wait_dma2 semaphore(%run_scoped3A : memref<!tpu.dma_semaphore, #tpu.memory_space<semaphore_mem>>) src(%arg6 : memref<768x128xf32, #tpu.memory_space<vmem>>) dst(%dma_wait3A_14 : memref<768x128xf32, #tpu.memory_space<hbm>>)
      tpu.yield
    }) : () -> ()
    return
  }
}

module attributes {stable_mosaic.version = 14 : i64} {
  func.func @_mpinn_kernel(%arg0: i32, %arg1: memref<3x1x1x8192xf32, #tpu.memory_space<vmem>>, %arg2: memref<128x640xf32, #tpu.memory_space<vmem>>, %arg3: memref<1x40960xf32, #tpu.memory_space<vmem>>, %arg4: memref<1536x128xf32, #tpu.memory_space<vmem>>, %arg5: memref<20x64xf32, #tpu.memory_space<vmem>>, %arg6: memref<16x32xf32, #tpu.memory_space<vmem>>, %arg7: memref<32x1xf32, #tpu.memory_space<vmem>>, %arg8: memref<32x64xf32, #tpu.memory_space<vmem>>, %arg9: memref<1x64xf32, #tpu.memory_space<vmem>>, %arg10: memref<64x64xf32, #tpu.memory_space<vmem>>, %arg11: memref<1x64xf32, #tpu.memory_space<vmem>>, %arg12: memref<64x64xf32, #tpu.memory_space<vmem>>, %arg13: memref<1x64xf32, #tpu.memory_space<vmem>>, %arg14: memref<64x64xf32, #tpu.memory_space<vmem>>, %arg15: memref<1x64xf32, #tpu.memory_space<vmem>>, %arg16: memref<1x64xf32, #tpu.memory_space<vmem>>, %arg17: memref<1x1xf32, #tpu.memory_space<vmem>>, %arg18: memref<64x1xf32, #tpu.memory_space<vmem>>) attributes {dimension_semantics = [#tpu.dimension_semantics<parallel>], iteration_bounds = array<i64: 16>, scalar_prefetch = 0 : i64, scratch_operands = 0 : i64, tpu.core_type = #tpu.core_type<tc>, window_params = [{transform_indices = @transform_0, window_bounds = array<i64: 3, 1, 1, 8192>}, {pipeline_mode = #tpu.pipeline_mode<synchronous>, transform_indices = @transform_1, window_bounds = array<i64: 128, 640>}, {pipeline_mode = #tpu.pipeline_mode<synchronous>, transform_indices = @transform_2, window_bounds = array<i64: 1, 40960>}, {transform_indices = @transform_3, window_bounds = array<i64: 1536, 128>}, {pipeline_mode = #tpu.pipeline_mode<synchronous>, transform_indices = @transform_4, window_bounds = array<i64: 20, 64>}, {pipeline_mode = #tpu.pipeline_mode<synchronous>, transform_indices = @transform_5, window_bounds = array<i64: 16, 32>}, {pipeline_mode = #tpu.pipeline_mode<synchronous>, transform_indices = @transform_6, window_bounds = array<i64: 32, 1>}, {pipeline_mode = #tpu.pipeline_mode<synchronous>, transform_indices = @transform_7, window_bounds = array<i64: 32, 64>}, {pipeline_mode = #tpu.pipeline_mode<synchronous>, transform_indices = @transform_8, window_bounds = array<i64: 1, 64>}, {pipeline_mode = #tpu.pipeline_mode<synchronous>, transform_indices = @transform_9, window_bounds = array<i64: 64, 64>}, {pipeline_mode = #tpu.pipeline_mode<synchronous>, transform_indices = @transform_10, window_bounds = array<i64: 1, 64>}, {pipeline_mode = #tpu.pipeline_mode<synchronous>, transform_indices = @transform_11, window_bounds = array<i64: 64, 64>}, {pipeline_mode = #tpu.pipeline_mode<synchronous>, transform_indices = @transform_12, window_bounds = array<i64: 1, 64>}, {pipeline_mode = #tpu.pipeline_mode<synchronous>, transform_indices = @transform_13, window_bounds = array<i64: 64, 64>}, {pipeline_mode = #tpu.pipeline_mode<synchronous>, transform_indices = @transform_14, window_bounds = array<i64: 1, 64>}, {pipeline_mode = #tpu.pipeline_mode<synchronous>, transform_indices = @transform_15, window_bounds = array<i64: 1, 64>}, {pipeline_mode = #tpu.pipeline_mode<synchronous>, transform_indices = @transform_16, window_bounds = array<i64: 1, 1>}, {transform_indices = @transform_17, window_bounds = array<i64: 64, 1>}]} {
    %get3A = arith.constant 0 : index
    %get3A_0 = arith.constant 0 : index
    %get3A_1 = arith.constant 0 : index
    %get3A_2 = arith.constant 0 : index
    %get3A_3 = vector.load %arg1[%get3A, %get3A_0, %get3A_1, %get3A_2] : memref<3x1x1x8192xf32, #tpu.memory_space<vmem>>, vector<3x1x1x8192xf32>
    %get3A_4 = vector.shape_cast %get3A_3 : vector<3x1x1x8192xf32> to vector<3x8192xf32>
    %get3A_5 = arith.constant 0 : index
    %get3A_6 = arith.constant 0 : index
    %get3A_7 = vector.load %arg2[%get3A_5, %get3A_6] : memref<128x640xf32, #tpu.memory_space<vmem>>, vector<128x640xf32>
    %slice3A = vector.extract_strided_slice %get3A_4 {offsets = [0, 0], sizes = [3, 128], strides = [1, 1]} : vector<3x8192xf32> to vector<3x128xf32>
    %dot_general3A = arith.constant dense<0.000000e+00> : vector<3x640xf32>
    %dot_general3A_8 = tpu.matmul %slice3A, %get3A_7, %dot_general3A {dimension_numbers = #tpu.dot_dimension_numbers<[1], [0], [0], [1], [0, 0, 1, 1], [], []>, transpose_lhs_hint = false} : vector<3x128xf32>, vector<128x640xf32>, vector<3x640xf32> -> vector<3x640xf32>
    %slice3A_9 = vector.extract_strided_slice %get3A_4 {offsets = [0, 128], sizes = [3, 128], strides = [1, 1]} : vector<3x8192xf32> to vector<3x128xf32>
    %dot_general3A_10 = arith.constant dense<0.000000e+00> : vector<3x640xf32>
    %dot_general3A_11 = tpu.matmul %slice3A_9, %get3A_7, %dot_general3A_10 {dimension_numbers = #tpu.dot_dimension_numbers<[1], [0], [0], [1], [0, 0, 1, 1], [], []>, transpose_lhs_hint = false} : vector<3x128xf32>, vector<128x640xf32>, vector<3x640xf32> -> vector<3x640xf32>
    %slice3A_12 = vector.extract_strided_slice %get3A_4 {offsets = [0, 256], sizes = [3, 128], strides = [1, 1]} : vector<3x8192xf32> to vector<3x128xf32>
    %dot_general3A_13 = arith.constant dense<0.000000e+00> : vector<3x640xf32>
    %dot_general3A_14 = tpu.matmul %slice3A_12, %get3A_7, %dot_general3A_13 {dimension_numbers = #tpu.dot_dimension_numbers<[1], [0], [0], [1], [0, 0, 1, 1], [], []>, transpose_lhs_hint = false} : vector<3x128xf32>, vector<128x640xf32>, vector<3x640xf32> -> vector<3x640xf32>
    %slice3A_15 = vector.extract_strided_slice %get3A_4 {offsets = [0, 384], sizes = [3, 128], strides = [1, 1]} : vector<3x8192xf32> to vector<3x128xf32>
    %dot_general3A_16 = arith.constant dense<0.000000e+00> : vector<3x640xf32>
    %dot_general3A_17 = tpu.matmul %slice3A_15, %get3A_7, %dot_general3A_16 {dimension_numbers = #tpu.dot_dimension_numbers<[1], [0], [0], [1], [0, 0, 1, 1], [], []>, transpose_lhs_hint = false} : vector<3x128xf32>, vector<128x640xf32>, vector<3x640xf32> -> vector<3x640xf32>
    %slice3A_18 = vector.extract_strided_slice %get3A_4 {offsets = [0, 512], sizes = [3, 128], strides = [1, 1]} : vector<3x8192xf32> to vector<3x128xf32>
    %dot_general3A_19 = arith.constant dense<0.000000e+00> : vector<3x640xf32>
    %dot_general3A_20 = tpu.matmul %slice3A_18, %get3A_7, %dot_general3A_19 {dimension_numbers = #tpu.dot_dimension_numbers<[1], [0], [0], [1], [0, 0, 1, 1], [], []>, transpose_lhs_hint = false} : vector<3x128xf32>, vector<128x640xf32>, vector<3x640xf32> -> vector<3x640xf32>
    %slice3A_21 = vector.extract_strided_slice %get3A_4 {offsets = [0, 640], sizes = [3, 128], strides = [1, 1]} : vector<3x8192xf32> to vector<3x128xf32>
    %dot_general3A_22 = arith.constant dense<0.000000e+00> : vector<3x640xf32>
    %dot_general3A_23 = tpu.matmul %slice3A_21, %get3A_7, %dot_general3A_22 {dimension_numbers = #tpu.dot_dimension_numbers<[1], [0], [0], [1], [0, 0, 1, 1], [], []>, transpose_lhs_hint = false} : vector<3x128xf32>, vector<128x640xf32>, vector<3x640xf32> -> vector<3x640xf32>
    %slice3A_24 = vector.extract_strided_slice %get3A_4 {offsets = [0, 768], sizes = [3, 128], strides = [1, 1]} : vector<3x8192xf32> to vector<3x128xf32>
    %dot_general3A_25 = arith.constant dense<0.000000e+00> : vector<3x640xf32>
    %dot_general3A_26 = tpu.matmul %slice3A_24, %get3A_7, %dot_general3A_25 {dimension_numbers = #tpu.dot_dimension_numbers<[1], [0], [0], [1], [0, 0, 1, 1], [], []>, transpose_lhs_hint = false} : vector<3x128xf32>, vector<128x640xf32>, vector<3x640xf32> -> vector<3x640xf32>
    %slice3A_27 = vector.extract_strided_slice %get3A_4 {offsets = [0, 896], sizes = [3, 128], strides = [1, 1]} : vector<3x8192xf32> to vector<3x128xf32>
    %dot_general3A_28 = arith.constant dense<0.000000e+00> : vector<3x640xf32>
    %dot_general3A_29 = tpu.matmul %slice3A_27, %get3A_7, %dot_general3A_28 {dimension_numbers = #tpu.dot_dimension_numbers<[1], [0], [0], [1], [0, 0, 1, 1], [], []>, transpose_lhs_hint = false} : vector<3x128xf32>, vector<128x640xf32>, vector<3x640xf32> -> vector<3x640xf32>
    %slice3A_30 = vector.extract_strided_slice %get3A_4 {offsets = [0, 1024], sizes = [3, 128], strides = [1, 1]} : vector<3x8192xf32> to vector<3x128xf32>
    %dot_general3A_31 = arith.constant dense<0.000000e+00> : vector<3x640xf32>
    %dot_general3A_32 = tpu.matmul %slice3A_30, %get3A_7, %dot_general3A_31 {dimension_numbers = #tpu.dot_dimension_numbers<[1], [0], [0], [1], [0, 0, 1, 1], [], []>, transpose_lhs_hint = false} : vector<3x128xf32>, vector<128x640xf32>, vector<3x640xf32> -> vector<3x640xf32>
    %slice3A_33 = vector.extract_strided_slice %get3A_4 {offsets = [0, 1152], sizes = [3, 128], strides = [1, 1]} : vector<3x8192xf32> to vector<3x128xf32>
    %dot_general3A_34 = arith.constant dense<0.000000e+00> : vector<3x640xf32>
    %dot_general3A_35 = tpu.matmul %slice3A_33, %get3A_7, %dot_general3A_34 {dimension_numbers = #tpu.dot_dimension_numbers<[1], [0], [0], [1], [0, 0, 1, 1], [], []>, transpose_lhs_hint = false} : vector<3x128xf32>, vector<128x640xf32>, vector<3x640xf32> -> vector<3x640xf32>
    %slice3A_36 = vector.extract_strided_slice %get3A_4 {offsets = [0, 1280], sizes = [3, 128], strides = [1, 1]} : vector<3x8192xf32> to vector<3x128xf32>
    %dot_general3A_37 = arith.constant dense<0.000000e+00> : vector<3x640xf32>
    %dot_general3A_38 = tpu.matmul %slice3A_36, %get3A_7, %dot_general3A_37 {dimension_numbers = #tpu.dot_dimension_numbers<[1], [0], [0], [1], [0, 0, 1, 1], [], []>, transpose_lhs_hint = false} : vector<3x128xf32>, vector<128x640xf32>, vector<3x640xf32> -> vector<3x640xf32>
    %slice3A_39 = vector.extract_strided_slice %get3A_4 {offsets = [0, 1408], sizes = [3, 128], strides = [1, 1]} : vector<3x8192xf32> to vector<3x128xf32>
    %dot_general3A_40 = arith.constant dense<0.000000e+00> : vector<3x640xf32>
    %dot_general3A_41 = tpu.matmul %slice3A_39, %get3A_7, %dot_general3A_40 {dimension_numbers = #tpu.dot_dimension_numbers<[1], [0], [0], [1], [0, 0, 1, 1], [], []>, transpose_lhs_hint = false} : vector<3x128xf32>, vector<128x640xf32>, vector<3x640xf32> -> vector<3x640xf32>
    %slice3A_42 = vector.extract_strided_slice %get3A_4 {offsets = [0, 1536], sizes = [3, 128], strides = [1, 1]} : vector<3x8192xf32> to vector<3x128xf32>
    %dot_general3A_43 = arith.constant dense<0.000000e+00> : vector<3x640xf32>
    %dot_general3A_44 = tpu.matmul %slice3A_42, %get3A_7, %dot_general3A_43 {dimension_numbers = #tpu.dot_dimension_numbers<[1], [0], [0], [1], [0, 0, 1, 1], [], []>, transpose_lhs_hint = false} : vector<3x128xf32>, vector<128x640xf32>, vector<3x640xf32> -> vector<3x640xf32>
    %slice3A_45 = vector.extract_strided_slice %get3A_4 {offsets = [0, 1664], sizes = [3, 128], strides = [1, 1]} : vector<3x8192xf32> to vector<3x128xf32>
    %dot_general3A_46 = arith.constant dense<0.000000e+00> : vector<3x640xf32>
    %dot_general3A_47 = tpu.matmul %slice3A_45, %get3A_7, %dot_general3A_46 {dimension_numbers = #tpu.dot_dimension_numbers<[1], [0], [0], [1], [0, 0, 1, 1], [], []>, transpose_lhs_hint = false} : vector<3x128xf32>, vector<128x640xf32>, vector<3x640xf32> -> vector<3x640xf32>
    %slice3A_48 = vector.extract_strided_slice %get3A_4 {offsets = [0, 1792], sizes = [3, 128], strides = [1, 1]} : vector<3x8192xf32> to vector<3x128xf32>
    %dot_general3A_49 = arith.constant dense<0.000000e+00> : vector<3x640xf32>
    %dot_general3A_50 = tpu.matmul %slice3A_48, %get3A_7, %dot_general3A_49 {dimension_numbers = #tpu.dot_dimension_numbers<[1], [0], [0], [1], [0, 0, 1, 1], [], []>, transpose_lhs_hint = false} : vector<3x128xf32>, vector<128x640xf32>, vector<3x640xf32> -> vector<3x640xf32>
    %slice3A_51 = vector.extract_strided_slice %get3A_4 {offsets = [0, 1920], sizes = [3, 128], strides = [1, 1]} : vector<3x8192xf32> to vector<3x128xf32>
    %dot_general3A_52 = arith.constant dense<0.000000e+00> : vector<3x640xf32>
    %dot_general3A_53 = tpu.matmul %slice3A_51, %get3A_7, %dot_general3A_52 {dimension_numbers = #tpu.dot_dimension_numbers<[1], [0], [0], [1], [0, 0, 1, 1], [], []>, transpose_lhs_hint = false} : vector<3x128xf32>, vector<128x640xf32>, vector<3x640xf32> -> vector<3x640xf32>
    %slice3A_54 = vector.extract_strided_slice %get3A_4 {offsets = [0, 2048], sizes = [3, 128], strides = [1, 1]} : vector<3x8192xf32> to vector<3x128xf32>
    %dot_general3A_55 = arith.constant dense<0.000000e+00> : vector<3x640xf32>
    %dot_general3A_56 = tpu.matmul %slice3A_54, %get3A_7, %dot_general3A_55 {dimension_numbers = #tpu.dot_dimension_numbers<[1], [0], [0], [1], [0, 0, 1, 1], [], []>, transpose_lhs_hint = false} : vector<3x128xf32>, vector<128x640xf32>, vector<3x640xf32> -> vector<3x640xf32>
    %slice3A_57 = vector.extract_strided_slice %get3A_4 {offsets = [0, 2176], sizes = [3, 128], strides = [1, 1]} : vector<3x8192xf32> to vector<3x128xf32>
    %dot_general3A_58 = arith.constant dense<0.000000e+00> : vector<3x640xf32>
    %dot_general3A_59 = tpu.matmul %slice3A_57, %get3A_7, %dot_general3A_58 {dimension_numbers = #tpu.dot_dimension_numbers<[1], [0], [0], [1], [0, 0, 1, 1], [], []>, transpose_lhs_hint = false} : vector<3x128xf32>, vector<128x640xf32>, vector<3x640xf32> -> vector<3x640xf32>
    %slice3A_60 = vector.extract_strided_slice %get3A_4 {offsets = [0, 2304], sizes = [3, 128], strides = [1, 1]} : vector<3x8192xf32> to vector<3x128xf32>
    %dot_general3A_61 = arith.constant dense<0.000000e+00> : vector<3x640xf32>
    %dot_general3A_62 = tpu.matmul %slice3A_60, %get3A_7, %dot_general3A_61 {dimension_numbers = #tpu.dot_dimension_numbers<[1], [0], [0], [1], [0, 0, 1, 1], [], []>, transpose_lhs_hint = false} : vector<3x128xf32>, vector<128x640xf32>, vector<3x640xf32> -> vector<3x640xf32>
    %slice3A_63 = vector.extract_strided_slice %get3A_4 {offsets = [0, 2432], sizes = [3, 128], strides = [1, 1]} : vector<3x8192xf32> to vector<3x128xf32>
    %dot_general3A_64 = arith.constant dense<0.000000e+00> : vector<3x640xf32>
    %dot_general3A_65 = tpu.matmul %slice3A_63, %get3A_7, %dot_general3A_64 {dimension_numbers = #tpu.dot_dimension_numbers<[1], [0], [0], [1], [0, 0, 1, 1], [], []>, transpose_lhs_hint = false} : vector<3x128xf32>, vector<128x640xf32>, vector<3x640xf32> -> vector<3x640xf32>
    %slice3A_66 = vector.extract_strided_slice %get3A_4 {offsets = [0, 2560], sizes = [3, 128], strides = [1, 1]} : vector<3x8192xf32> to vector<3x128xf32>
    %dot_general3A_67 = arith.constant dense<0.000000e+00> : vector<3x640xf32>
    %dot_general3A_68 = tpu.matmul %slice3A_66, %get3A_7, %dot_general3A_67 {dimension_numbers = #tpu.dot_dimension_numbers<[1], [0], [0], [1], [0, 0, 1, 1], [], []>, transpose_lhs_hint = false} : vector<3x128xf32>, vector<128x640xf32>, vector<3x640xf32> -> vector<3x640xf32>
    %slice3A_69 = vector.extract_strided_slice %get3A_4 {offsets = [0, 2688], sizes = [3, 128], strides = [1, 1]} : vector<3x8192xf32> to vector<3x128xf32>
    %dot_general3A_70 = arith.constant dense<0.000000e+00> : vector<3x640xf32>
    %dot_general3A_71 = tpu.matmul %slice3A_69, %get3A_7, %dot_general3A_70 {dimension_numbers = #tpu.dot_dimension_numbers<[1], [0], [0], [1], [0, 0, 1, 1], [], []>, transpose_lhs_hint = false} : vector<3x128xf32>, vector<128x640xf32>, vector<3x640xf32> -> vector<3x640xf32>
    %slice3A_72 = vector.extract_strided_slice %get3A_4 {offsets = [0, 2816], sizes = [3, 128], strides = [1, 1]} : vector<3x8192xf32> to vector<3x128xf32>
    %dot_general3A_73 = arith.constant dense<0.000000e+00> : vector<3x640xf32>
    %dot_general3A_74 = tpu.matmul %slice3A_72, %get3A_7, %dot_general3A_73 {dimension_numbers = #tpu.dot_dimension_numbers<[1], [0], [0], [1], [0, 0, 1, 1], [], []>, transpose_lhs_hint = false} : vector<3x128xf32>, vector<128x640xf32>, vector<3x640xf32> -> vector<3x640xf32>
    %slice3A_75 = vector.extract_strided_slice %get3A_4 {offsets = [0, 2944], sizes = [3, 128], strides = [1, 1]} : vector<3x8192xf32> to vector<3x128xf32>
    %dot_general3A_76 = arith.constant dense<0.000000e+00> : vector<3x640xf32>
    %dot_general3A_77 = tpu.matmul %slice3A_75, %get3A_7, %dot_general3A_76 {dimension_numbers = #tpu.dot_dimension_numbers<[1], [0], [0], [1], [0, 0, 1, 1], [], []>, transpose_lhs_hint = false} : vector<3x128xf32>, vector<128x640xf32>, vector<3x640xf32> -> vector<3x640xf32>
    %slice3A_78 = vector.extract_strided_slice %get3A_4 {offsets = [0, 3072], sizes = [3, 128], strides = [1, 1]} : vector<3x8192xf32> to vector<3x128xf32>
    %dot_general3A_79 = arith.constant dense<0.000000e+00> : vector<3x640xf32>
    %dot_general3A_80 = tpu.matmul %slice3A_78, %get3A_7, %dot_general3A_79 {dimension_numbers = #tpu.dot_dimension_numbers<[1], [0], [0], [1], [0, 0, 1, 1], [], []>, transpose_lhs_hint = false} : vector<3x128xf32>, vector<128x640xf32>, vector<3x640xf32> -> vector<3x640xf32>
    %slice3A_81 = vector.extract_strided_slice %get3A_4 {offsets = [0, 3200], sizes = [3, 128], strides = [1, 1]} : vector<3x8192xf32> to vector<3x128xf32>
    %dot_general3A_82 = arith.constant dense<0.000000e+00> : vector<3x640xf32>
    %dot_general3A_83 = tpu.matmul %slice3A_81, %get3A_7, %dot_general3A_82 {dimension_numbers = #tpu.dot_dimension_numbers<[1], [0], [0], [1], [0, 0, 1, 1], [], []>, transpose_lhs_hint = false} : vector<3x128xf32>, vector<128x640xf32>, vector<3x640xf32> -> vector<3x640xf32>
    %slice3A_84 = vector.extract_strided_slice %get3A_4 {offsets = [0, 3328], sizes = [3, 128], strides = [1, 1]} : vector<3x8192xf32> to vector<3x128xf32>
    %dot_general3A_85 = arith.constant dense<0.000000e+00> : vector<3x640xf32>
    %dot_general3A_86 = tpu.matmul %slice3A_84, %get3A_7, %dot_general3A_85 {dimension_numbers = #tpu.dot_dimension_numbers<[1], [0], [0], [1], [0, 0, 1, 1], [], []>, transpose_lhs_hint = false} : vector<3x128xf32>, vector<128x640xf32>, vector<3x640xf32> -> vector<3x640xf32>
    %slice3A_87 = vector.extract_strided_slice %get3A_4 {offsets = [0, 3456], sizes = [3, 128], strides = [1, 1]} : vector<3x8192xf32> to vector<3x128xf32>
    %dot_general3A_88 = arith.constant dense<0.000000e+00> : vector<3x640xf32>
    %dot_general3A_89 = tpu.matmul %slice3A_87, %get3A_7, %dot_general3A_88 {dimension_numbers = #tpu.dot_dimension_numbers<[1], [0], [0], [1], [0, 0, 1, 1], [], []>, transpose_lhs_hint = false} : vector<3x128xf32>, vector<128x640xf32>, vector<3x640xf32> -> vector<3x640xf32>
    %slice3A_90 = vector.extract_strided_slice %get3A_4 {offsets = [0, 3584], sizes = [3, 128], strides = [1, 1]} : vector<3x8192xf32> to vector<3x128xf32>
    %dot_general3A_91 = arith.constant dense<0.000000e+00> : vector<3x640xf32>
    %dot_general3A_92 = tpu.matmul %slice3A_90, %get3A_7, %dot_general3A_91 {dimension_numbers = #tpu.dot_dimension_numbers<[1], [0], [0], [1], [0, 0, 1, 1], [], []>, transpose_lhs_hint = false} : vector<3x128xf32>, vector<128x640xf32>, vector<3x640xf32> -> vector<3x640xf32>
    %slice3A_93 = vector.extract_strided_slice %get3A_4 {offsets = [0, 3712], sizes = [3, 128], strides = [1, 1]} : vector<3x8192xf32> to vector<3x128xf32>
    %dot_general3A_94 = arith.constant dense<0.000000e+00> : vector<3x640xf32>
    %dot_general3A_95 = tpu.matmul %slice3A_93, %get3A_7, %dot_general3A_94 {dimension_numbers = #tpu.dot_dimension_numbers<[1], [0], [0], [1], [0, 0, 1, 1], [], []>, transpose_lhs_hint = false} : vector<3x128xf32>, vector<128x640xf32>, vector<3x640xf32> -> vector<3x640xf32>
    %slice3A_96 = vector.extract_strided_slice %get3A_4 {offsets = [0, 3840], sizes = [3, 128], strides = [1, 1]} : vector<3x8192xf32> to vector<3x128xf32>
    %dot_general3A_97 = arith.constant dense<0.000000e+00> : vector<3x640xf32>
    %dot_general3A_98 = tpu.matmul %slice3A_96, %get3A_7, %dot_general3A_97 {dimension_numbers = #tpu.dot_dimension_numbers<[1], [0], [0], [1], [0, 0, 1, 1], [], []>, transpose_lhs_hint = false} : vector<3x128xf32>, vector<128x640xf32>, vector<3x640xf32> -> vector<3x640xf32>
    %slice3A_99 = vector.extract_strided_slice %get3A_4 {offsets = [0, 3968], sizes = [3, 128], strides = [1, 1]} : vector<3x8192xf32> to vector<3x128xf32>
    %dot_general3A_100 = arith.constant dense<0.000000e+00> : vector<3x640xf32>
    %dot_general3A_101 = tpu.matmul %slice3A_99, %get3A_7, %dot_general3A_100 {dimension_numbers = #tpu.dot_dimension_numbers<[1], [0], [0], [1], [0, 0, 1, 1], [], []>, transpose_lhs_hint = false} : vector<3x128xf32>, vector<128x640xf32>, vector<3x640xf32> -> vector<3x640xf32>
    %slice3A_102 = vector.extract_strided_slice %get3A_4 {offsets = [0, 4096], sizes = [3, 128], strides = [1, 1]} : vector<3x8192xf32> to vector<3x128xf32>
    %dot_general3A_103 = arith.constant dense<0.000000e+00> : vector<3x640xf32>
    %dot_general3A_104 = tpu.matmul %slice3A_102, %get3A_7, %dot_general3A_103 {dimension_numbers = #tpu.dot_dimension_numbers<[1], [0], [0], [1], [0, 0, 1, 1], [], []>, transpose_lhs_hint = false} : vector<3x128xf32>, vector<128x640xf32>, vector<3x640xf32> -> vector<3x640xf32>
    %slice3A_105 = vector.extract_strided_slice %get3A_4 {offsets = [0, 4224], sizes = [3, 128], strides = [1, 1]} : vector<3x8192xf32> to vector<3x128xf32>
    %dot_general3A_106 = arith.constant dense<0.000000e+00> : vector<3x640xf32>
    %dot_general3A_107 = tpu.matmul %slice3A_105, %get3A_7, %dot_general3A_106 {dimension_numbers = #tpu.dot_dimension_numbers<[1], [0], [0], [1], [0, 0, 1, 1], [], []>, transpose_lhs_hint = false} : vector<3x128xf32>, vector<128x640xf32>, vector<3x640xf32> -> vector<3x640xf32>
    %slice3A_108 = vector.extract_strided_slice %get3A_4 {offsets = [0, 4352], sizes = [3, 128], strides = [1, 1]} : vector<3x8192xf32> to vector<3x128xf32>
    %dot_general3A_109 = arith.constant dense<0.000000e+00> : vector<3x640xf32>
    %dot_general3A_110 = tpu.matmul %slice3A_108, %get3A_7, %dot_general3A_109 {dimension_numbers = #tpu.dot_dimension_numbers<[1], [0], [0], [1], [0, 0, 1, 1], [], []>, transpose_lhs_hint = false} : vector<3x128xf32>, vector<128x640xf32>, vector<3x640xf32> -> vector<3x640xf32>
    %slice3A_111 = vector.extract_strided_slice %get3A_4 {offsets = [0, 4480], sizes = [3, 128], strides = [1, 1]} : vector<3x8192xf32> to vector<3x128xf32>
    %dot_general3A_112 = arith.constant dense<0.000000e+00> : vector<3x640xf32>
    %dot_general3A_113 = tpu.matmul %slice3A_111, %get3A_7, %dot_general3A_112 {dimension_numbers = #tpu.dot_dimension_numbers<[1], [0], [0], [1], [0, 0, 1, 1], [], []>, transpose_lhs_hint = false} : vector<3x128xf32>, vector<128x640xf32>, vector<3x640xf32> -> vector<3x640xf32>
    %slice3A_114 = vector.extract_strided_slice %get3A_4 {offsets = [0, 4608], sizes = [3, 128], strides = [1, 1]} : vector<3x8192xf32> to vector<3x128xf32>
    %dot_general3A_115 = arith.constant dense<0.000000e+00> : vector<3x640xf32>
    %dot_general3A_116 = tpu.matmul %slice3A_114, %get3A_7, %dot_general3A_115 {dimension_numbers = #tpu.dot_dimension_numbers<[1], [0], [0], [1], [0, 0, 1, 1], [], []>, transpose_lhs_hint = false} : vector<3x128xf32>, vector<128x640xf32>, vector<3x640xf32> -> vector<3x640xf32>
    %slice3A_117 = vector.extract_strided_slice %get3A_4 {offsets = [0, 4736], sizes = [3, 128], strides = [1, 1]} : vector<3x8192xf32> to vector<3x128xf32>
    %dot_general3A_118 = arith.constant dense<0.000000e+00> : vector<3x640xf32>
    %dot_general3A_119 = tpu.matmul %slice3A_117, %get3A_7, %dot_general3A_118 {dimension_numbers = #tpu.dot_dimension_numbers<[1], [0], [0], [1], [0, 0, 1, 1], [], []>, transpose_lhs_hint = false} : vector<3x128xf32>, vector<128x640xf32>, vector<3x640xf32> -> vector<3x640xf32>
    %slice3A_120 = vector.extract_strided_slice %get3A_4 {offsets = [0, 4864], sizes = [3, 128], strides = [1, 1]} : vector<3x8192xf32> to vector<3x128xf32>
    %dot_general3A_121 = arith.constant dense<0.000000e+00> : vector<3x640xf32>
    %dot_general3A_122 = tpu.matmul %slice3A_120, %get3A_7, %dot_general3A_121 {dimension_numbers = #tpu.dot_dimension_numbers<[1], [0], [0], [1], [0, 0, 1, 1], [], []>, transpose_lhs_hint = false} : vector<3x128xf32>, vector<128x640xf32>, vector<3x640xf32> -> vector<3x640xf32>
    %slice3A_123 = vector.extract_strided_slice %get3A_4 {offsets = [0, 4992], sizes = [3, 128], strides = [1, 1]} : vector<3x8192xf32> to vector<3x128xf32>
    %dot_general3A_124 = arith.constant dense<0.000000e+00> : vector<3x640xf32>
    %dot_general3A_125 = tpu.matmul %slice3A_123, %get3A_7, %dot_general3A_124 {dimension_numbers = #tpu.dot_dimension_numbers<[1], [0], [0], [1], [0, 0, 1, 1], [], []>, transpose_lhs_hint = false} : vector<3x128xf32>, vector<128x640xf32>, vector<3x640xf32> -> vector<3x640xf32>
    %slice3A_126 = vector.extract_strided_slice %get3A_4 {offsets = [0, 5120], sizes = [3, 128], strides = [1, 1]} : vector<3x8192xf32> to vector<3x128xf32>
    %dot_general3A_127 = arith.constant dense<0.000000e+00> : vector<3x640xf32>
    %dot_general3A_128 = tpu.matmul %slice3A_126, %get3A_7, %dot_general3A_127 {dimension_numbers = #tpu.dot_dimension_numbers<[1], [0], [0], [1], [0, 0, 1, 1], [], []>, transpose_lhs_hint = false} : vector<3x128xf32>, vector<128x640xf32>, vector<3x640xf32> -> vector<3x640xf32>
    %slice3A_129 = vector.extract_strided_slice %get3A_4 {offsets = [0, 5248], sizes = [3, 128], strides = [1, 1]} : vector<3x8192xf32> to vector<3x128xf32>
    %dot_general3A_130 = arith.constant dense<0.000000e+00> : vector<3x640xf32>
    %dot_general3A_131 = tpu.matmul %slice3A_129, %get3A_7, %dot_general3A_130 {dimension_numbers = #tpu.dot_dimension_numbers<[1], [0], [0], [1], [0, 0, 1, 1], [], []>, transpose_lhs_hint = false} : vector<3x128xf32>, vector<128x640xf32>, vector<3x640xf32> -> vector<3x640xf32>
    %slice3A_132 = vector.extract_strided_slice %get3A_4 {offsets = [0, 5376], sizes = [3, 128], strides = [1, 1]} : vector<3x8192xf32> to vector<3x128xf32>
    %dot_general3A_133 = arith.constant dense<0.000000e+00> : vector<3x640xf32>
    %dot_general3A_134 = tpu.matmul %slice3A_132, %get3A_7, %dot_general3A_133 {dimension_numbers = #tpu.dot_dimension_numbers<[1], [0], [0], [1], [0, 0, 1, 1], [], []>, transpose_lhs_hint = false} : vector<3x128xf32>, vector<128x640xf32>, vector<3x640xf32> -> vector<3x640xf32>
    %slice3A_135 = vector.extract_strided_slice %get3A_4 {offsets = [0, 5504], sizes = [3, 128], strides = [1, 1]} : vector<3x8192xf32> to vector<3x128xf32>
    %dot_general3A_136 = arith.constant dense<0.000000e+00> : vector<3x640xf32>
    %dot_general3A_137 = tpu.matmul %slice3A_135, %get3A_7, %dot_general3A_136 {dimension_numbers = #tpu.dot_dimension_numbers<[1], [0], [0], [1], [0, 0, 1, 1], [], []>, transpose_lhs_hint = false} : vector<3x128xf32>, vector<128x640xf32>, vector<3x640xf32> -> vector<3x640xf32>
    %slice3A_138 = vector.extract_strided_slice %get3A_4 {offsets = [0, 5632], sizes = [3, 128], strides = [1, 1]} : vector<3x8192xf32> to vector<3x128xf32>
    %dot_general3A_139 = arith.constant dense<0.000000e+00> : vector<3x640xf32>
    %dot_general3A_140 = tpu.matmul %slice3A_138, %get3A_7, %dot_general3A_139 {dimension_numbers = #tpu.dot_dimension_numbers<[1], [0], [0], [1], [0, 0, 1, 1], [], []>, transpose_lhs_hint = false} : vector<3x128xf32>, vector<128x640xf32>, vector<3x640xf32> -> vector<3x640xf32>
    %slice3A_141 = vector.extract_strided_slice %get3A_4 {offsets = [0, 5760], sizes = [3, 128], strides = [1, 1]} : vector<3x8192xf32> to vector<3x128xf32>
    %dot_general3A_142 = arith.constant dense<0.000000e+00> : vector<3x640xf32>
    %dot_general3A_143 = tpu.matmul %slice3A_141, %get3A_7, %dot_general3A_142 {dimension_numbers = #tpu.dot_dimension_numbers<[1], [0], [0], [1], [0, 0, 1, 1], [], []>, transpose_lhs_hint = false} : vector<3x128xf32>, vector<128x640xf32>, vector<3x640xf32> -> vector<3x640xf32>
    %slice3A_144 = vector.extract_strided_slice %get3A_4 {offsets = [0, 5888], sizes = [3, 128], strides = [1, 1]} : vector<3x8192xf32> to vector<3x128xf32>
    %dot_general3A_145 = arith.constant dense<0.000000e+00> : vector<3x640xf32>
    %dot_general3A_146 = tpu.matmul %slice3A_144, %get3A_7, %dot_general3A_145 {dimension_numbers = #tpu.dot_dimension_numbers<[1], [0], [0], [1], [0, 0, 1, 1], [], []>, transpose_lhs_hint = false} : vector<3x128xf32>, vector<128x640xf32>, vector<3x640xf32> -> vector<3x640xf32>
    %slice3A_147 = vector.extract_strided_slice %get3A_4 {offsets = [0, 6016], sizes = [3, 128], strides = [1, 1]} : vector<3x8192xf32> to vector<3x128xf32>
    %dot_general3A_148 = arith.constant dense<0.000000e+00> : vector<3x640xf32>
    %dot_general3A_149 = tpu.matmul %slice3A_147, %get3A_7, %dot_general3A_148 {dimension_numbers = #tpu.dot_dimension_numbers<[1], [0], [0], [1], [0, 0, 1, 1], [], []>, transpose_lhs_hint = false} : vector<3x128xf32>, vector<128x640xf32>, vector<3x640xf32> -> vector<3x640xf32>
    %slice3A_150 = vector.extract_strided_slice %get3A_4 {offsets = [0, 6144], sizes = [3, 128], strides = [1, 1]} : vector<3x8192xf32> to vector<3x128xf32>
    %dot_general3A_151 = arith.constant dense<0.000000e+00> : vector<3x640xf32>
    %dot_general3A_152 = tpu.matmul %slice3A_150, %get3A_7, %dot_general3A_151 {dimension_numbers = #tpu.dot_dimension_numbers<[1], [0], [0], [1], [0, 0, 1, 1], [], []>, transpose_lhs_hint = false} : vector<3x128xf32>, vector<128x640xf32>, vector<3x640xf32> -> vector<3x640xf32>
    %slice3A_153 = vector.extract_strided_slice %get3A_4 {offsets = [0, 6272], sizes = [3, 128], strides = [1, 1]} : vector<3x8192xf32> to vector<3x128xf32>
    %dot_general3A_154 = arith.constant dense<0.000000e+00> : vector<3x640xf32>
    %dot_general3A_155 = tpu.matmul %slice3A_153, %get3A_7, %dot_general3A_154 {dimension_numbers = #tpu.dot_dimension_numbers<[1], [0], [0], [1], [0, 0, 1, 1], [], []>, transpose_lhs_hint = false} : vector<3x128xf32>, vector<128x640xf32>, vector<3x640xf32> -> vector<3x640xf32>
    %slice3A_156 = vector.extract_strided_slice %get3A_4 {offsets = [0, 6400], sizes = [3, 128], strides = [1, 1]} : vector<3x8192xf32> to vector<3x128xf32>
    %dot_general3A_157 = arith.constant dense<0.000000e+00> : vector<3x640xf32>
    %dot_general3A_158 = tpu.matmul %slice3A_156, %get3A_7, %dot_general3A_157 {dimension_numbers = #tpu.dot_dimension_numbers<[1], [0], [0], [1], [0, 0, 1, 1], [], []>, transpose_lhs_hint = false} : vector<3x128xf32>, vector<128x640xf32>, vector<3x640xf32> -> vector<3x640xf32>
    %slice3A_159 = vector.extract_strided_slice %get3A_4 {offsets = [0, 6528], sizes = [3, 128], strides = [1, 1]} : vector<3x8192xf32> to vector<3x128xf32>
    %dot_general3A_160 = arith.constant dense<0.000000e+00> : vector<3x640xf32>
    %dot_general3A_161 = tpu.matmul %slice3A_159, %get3A_7, %dot_general3A_160 {dimension_numbers = #tpu.dot_dimension_numbers<[1], [0], [0], [1], [0, 0, 1, 1], [], []>, transpose_lhs_hint = false} : vector<3x128xf32>, vector<128x640xf32>, vector<3x640xf32> -> vector<3x640xf32>
    %slice3A_162 = vector.extract_strided_slice %get3A_4 {offsets = [0, 6656], sizes = [3, 128], strides = [1, 1]} : vector<3x8192xf32> to vector<3x128xf32>
    %dot_general3A_163 = arith.constant dense<0.000000e+00> : vector<3x640xf32>
    %dot_general3A_164 = tpu.matmul %slice3A_162, %get3A_7, %dot_general3A_163 {dimension_numbers = #tpu.dot_dimension_numbers<[1], [0], [0], [1], [0, 0, 1, 1], [], []>, transpose_lhs_hint = false} : vector<3x128xf32>, vector<128x640xf32>, vector<3x640xf32> -> vector<3x640xf32>
    %slice3A_165 = vector.extract_strided_slice %get3A_4 {offsets = [0, 6784], sizes = [3, 128], strides = [1, 1]} : vector<3x8192xf32> to vector<3x128xf32>
    %dot_general3A_166 = arith.constant dense<0.000000e+00> : vector<3x640xf32>
    %dot_general3A_167 = tpu.matmul %slice3A_165, %get3A_7, %dot_general3A_166 {dimension_numbers = #tpu.dot_dimension_numbers<[1], [0], [0], [1], [0, 0, 1, 1], [], []>, transpose_lhs_hint = false} : vector<3x128xf32>, vector<128x640xf32>, vector<3x640xf32> -> vector<3x640xf32>
    %slice3A_168 = vector.extract_strided_slice %get3A_4 {offsets = [0, 6912], sizes = [3, 128], strides = [1, 1]} : vector<3x8192xf32> to vector<3x128xf32>
    %dot_general3A_169 = arith.constant dense<0.000000e+00> : vector<3x640xf32>
    %dot_general3A_170 = tpu.matmul %slice3A_168, %get3A_7, %dot_general3A_169 {dimension_numbers = #tpu.dot_dimension_numbers<[1], [0], [0], [1], [0, 0, 1, 1], [], []>, transpose_lhs_hint = false} : vector<3x128xf32>, vector<128x640xf32>, vector<3x640xf32> -> vector<3x640xf32>
    %slice3A_171 = vector.extract_strided_slice %get3A_4 {offsets = [0, 7040], sizes = [3, 128], strides = [1, 1]} : vector<3x8192xf32> to vector<3x128xf32>
    %dot_general3A_172 = arith.constant dense<0.000000e+00> : vector<3x640xf32>
    %dot_general3A_173 = tpu.matmul %slice3A_171, %get3A_7, %dot_general3A_172 {dimension_numbers = #tpu.dot_dimension_numbers<[1], [0], [0], [1], [0, 0, 1, 1], [], []>, transpose_lhs_hint = false} : vector<3x128xf32>, vector<128x640xf32>, vector<3x640xf32> -> vector<3x640xf32>
    %slice3A_174 = vector.extract_strided_slice %get3A_4 {offsets = [0, 7168], sizes = [3, 128], strides = [1, 1]} : vector<3x8192xf32> to vector<3x128xf32>
    %dot_general3A_175 = arith.constant dense<0.000000e+00> : vector<3x640xf32>
    %dot_general3A_176 = tpu.matmul %slice3A_174, %get3A_7, %dot_general3A_175 {dimension_numbers = #tpu.dot_dimension_numbers<[1], [0], [0], [1], [0, 0, 1, 1], [], []>, transpose_lhs_hint = false} : vector<3x128xf32>, vector<128x640xf32>, vector<3x640xf32> -> vector<3x640xf32>
    %slice3A_177 = vector.extract_strided_slice %get3A_4 {offsets = [0, 7296], sizes = [3, 128], strides = [1, 1]} : vector<3x8192xf32> to vector<3x128xf32>
    %dot_general3A_178 = arith.constant dense<0.000000e+00> : vector<3x640xf32>
    %dot_general3A_179 = tpu.matmul %slice3A_177, %get3A_7, %dot_general3A_178 {dimension_numbers = #tpu.dot_dimension_numbers<[1], [0], [0], [1], [0, 0, 1, 1], [], []>, transpose_lhs_hint = false} : vector<3x128xf32>, vector<128x640xf32>, vector<3x640xf32> -> vector<3x640xf32>
    %slice3A_180 = vector.extract_strided_slice %get3A_4 {offsets = [0, 7424], sizes = [3, 128], strides = [1, 1]} : vector<3x8192xf32> to vector<3x128xf32>
    %dot_general3A_181 = arith.constant dense<0.000000e+00> : vector<3x640xf32>
    %dot_general3A_182 = tpu.matmul %slice3A_180, %get3A_7, %dot_general3A_181 {dimension_numbers = #tpu.dot_dimension_numbers<[1], [0], [0], [1], [0, 0, 1, 1], [], []>, transpose_lhs_hint = false} : vector<3x128xf32>, vector<128x640xf32>, vector<3x640xf32> -> vector<3x640xf32>
    %slice3A_183 = vector.extract_strided_slice %get3A_4 {offsets = [0, 7552], sizes = [3, 128], strides = [1, 1]} : vector<3x8192xf32> to vector<3x128xf32>
    %dot_general3A_184 = arith.constant dense<0.000000e+00> : vector<3x640xf32>
    %dot_general3A_185 = tpu.matmul %slice3A_183, %get3A_7, %dot_general3A_184 {dimension_numbers = #tpu.dot_dimension_numbers<[1], [0], [0], [1], [0, 0, 1, 1], [], []>, transpose_lhs_hint = false} : vector<3x128xf32>, vector<128x640xf32>, vector<3x640xf32> -> vector<3x640xf32>
    %slice3A_186 = vector.extract_strided_slice %get3A_4 {offsets = [0, 7680], sizes = [3, 128], strides = [1, 1]} : vector<3x8192xf32> to vector<3x128xf32>
    %dot_general3A_187 = arith.constant dense<0.000000e+00> : vector<3x640xf32>
    %dot_general3A_188 = tpu.matmul %slice3A_186, %get3A_7, %dot_general3A_187 {dimension_numbers = #tpu.dot_dimension_numbers<[1], [0], [0], [1], [0, 0, 1, 1], [], []>, transpose_lhs_hint = false} : vector<3x128xf32>, vector<128x640xf32>, vector<3x640xf32> -> vector<3x640xf32>
    %slice3A_189 = vector.extract_strided_slice %get3A_4 {offsets = [0, 7808], sizes = [3, 128], strides = [1, 1]} : vector<3x8192xf32> to vector<3x128xf32>
    %dot_general3A_190 = arith.constant dense<0.000000e+00> : vector<3x640xf32>
    %dot_general3A_191 = tpu.matmul %slice3A_189, %get3A_7, %dot_general3A_190 {dimension_numbers = #tpu.dot_dimension_numbers<[1], [0], [0], [1], [0, 0, 1, 1], [], []>, transpose_lhs_hint = false} : vector<3x128xf32>, vector<128x640xf32>, vector<3x640xf32> -> vector<3x640xf32>
    %slice3A_192 = vector.extract_strided_slice %get3A_4 {offsets = [0, 7936], sizes = [3, 128], strides = [1, 1]} : vector<3x8192xf32> to vector<3x128xf32>
    %dot_general3A_193 = arith.constant dense<0.000000e+00> : vector<3x640xf32>
    %dot_general3A_194 = tpu.matmul %slice3A_192, %get3A_7, %dot_general3A_193 {dimension_numbers = #tpu.dot_dimension_numbers<[1], [0], [0], [1], [0, 0, 1, 1], [], []>, transpose_lhs_hint = false} : vector<3x128xf32>, vector<128x640xf32>, vector<3x640xf32> -> vector<3x640xf32>
    %slice3A_195 = vector.extract_strided_slice %get3A_4 {offsets = [0, 8064], sizes = [3, 128], strides = [1, 1]} : vector<3x8192xf32> to vector<3x128xf32>
    %dot_general3A_196 = arith.constant dense<0.000000e+00> : vector<3x640xf32>
    %dot_general3A_197 = tpu.matmul %slice3A_195, %get3A_7, %dot_general3A_196 {dimension_numbers = #tpu.dot_dimension_numbers<[1], [0], [0], [1], [0, 0, 1, 1], [], []>, transpose_lhs_hint = false} : vector<3x128xf32>, vector<128x640xf32>, vector<3x640xf32> -> vector<3x640xf32>
    %concatenate3A = tpu.concatenate %dot_general3A_8, %dot_general3A_11, %dot_general3A_14, %dot_general3A_17, %dot_general3A_20, %dot_general3A_23, %dot_general3A_26, %dot_general3A_29, %dot_general3A_32, %dot_general3A_35, %dot_general3A_38, %dot_general3A_41, %dot_general3A_44, %dot_general3A_47, %dot_general3A_50, %dot_general3A_53, %dot_general3A_56, %dot_general3A_59, %dot_general3A_62, %dot_general3A_65, %dot_general3A_68, %dot_general3A_71, %dot_general3A_74, %dot_general3A_77, %dot_general3A_80, %dot_general3A_83, %dot_general3A_86, %dot_general3A_89, %dot_general3A_92, %dot_general3A_95, %dot_general3A_98, %dot_general3A_101, %dot_general3A_104, %dot_general3A_107, %dot_general3A_110, %dot_general3A_113, %dot_general3A_116, %dot_general3A_119, %dot_general3A_122, %dot_general3A_125, %dot_general3A_128, %dot_general3A_131, %dot_general3A_134, %dot_general3A_137, %dot_general3A_140, %dot_general3A_143, %dot_general3A_146, %dot_general3A_149, %dot_general3A_152, %dot_general3A_155, %dot_general3A_158, %dot_general3A_161, %dot_general3A_164, %dot_general3A_167, %dot_general3A_170, %dot_general3A_173, %dot_general3A_176, %dot_general3A_179, %dot_general3A_182, %dot_general3A_185, %dot_general3A_188, %dot_general3A_191, %dot_general3A_194, %dot_general3A_197 in 1 : vector<3x640xf32>, vector<3x640xf32>, vector<3x640xf32>, vector<3x640xf32>, vector<3x640xf32>, vector<3x640xf32>, vector<3x640xf32>, vector<3x640xf32>, vector<3x640xf32>, vector<3x640xf32>, vector<3x640xf32>, vector<3x640xf32>, vector<3x640xf32>, vector<3x640xf32>, vector<3x640xf32>, vector<3x640xf32>, vector<3x640xf32>, vector<3x640xf32>, vector<3x640xf32>, vector<3x640xf32>, vector<3x640xf32>, vector<3x640xf32>, vector<3x640xf32>, vector<3x640xf32>, vector<3x640xf32>, vector<3x640xf32>, vector<3x640xf32>, vector<3x640xf32>, vector<3x640xf32>, vector<3x640xf32>, vector<3x640xf32>, vector<3x640xf32>, vector<3x640xf32>, vector<3x640xf32>, vector<3x640xf32>, vector<3x640xf32>, vector<3x640xf32>, vector<3x640xf32>, vector<3x640xf32>, vector<3x640xf32>, vector<3x640xf32>, vector<3x640xf32>, vector<3x640xf32>, vector<3x640xf32>, vector<3x640xf32>, vector<3x640xf32>, vector<3x640xf32>, vector<3x640xf32>, vector<3x640xf32>, vector<3x640xf32>, vector<3x640xf32>, vector<3x640xf32>, vector<3x640xf32>, vector<3x640xf32>, vector<3x640xf32>, vector<3x640xf32>, vector<3x640xf32>, vector<3x640xf32>, vector<3x640xf32>, vector<3x640xf32>, vector<3x640xf32>, vector<3x640xf32>, vector<3x640xf32>, vector<3x640xf32> -> vector<3x40960xf32>
    %mul3A = arith.mulf %concatenate3A, %concatenate3A : vector<3x40960xf32>
    %reduce_sum3A = arith.constant dense<0.000000e+00> : vector<40960xf32>
    %reduce_sum3A_198 = vector.multi_reduction <add>, %mul3A, %reduce_sum3A [0] : vector<3x40960xf32> to vector<40960xf32>
    %broadcast_in_dim3A = vector.shape_cast %reduce_sum3A_198 : vector<40960xf32> to vector<1x40960xf32>
    %add3A = arith.constant 9.99999996E-13 : f32
    %add3A_199 = vector.broadcast %add3A : f32 to vector<1x40960xf32>
    %add3A_200 = arith.addf %broadcast_in_dim3A, %add3A_199 : vector<1x40960xf32>
    %sqrt3A = math.sqrt %add3A_200 : vector<1x40960xf32>
    %iota3A = tpu.iota {dimensions = array<i32: 0>} : vector<16x1xi32>
    %convert_element_type3A = arith.sitofp %iota3A : vector<16x1xi32> to vector<16x1xf32>
    %mul3A_201 = arith.constant 0.333333343 : f32
    %mul3A_202 = vector.broadcast %mul3A_201 : f32 to vector<16x1xf32>
    %mul3A_203 = arith.mulf %convert_element_type3A, %mul3A_202 : vector<16x1xf32>
    %sub3A = vector.broadcast %sqrt3A : vector<1x40960xf32> to vector<16x40960xf32>
    %sub3A_204 = vector.broadcast %mul3A_203 : vector<16x1xf32> to vector<16x40960xf32>
    %sub3A_205 = arith.subf %sub3A, %sub3A_204 : vector<16x40960xf32>
    %integer_pow3A = arith.mulf %sub3A_205, %sub3A_205 : vector<16x40960xf32>
    %mul3A_206 = arith.constant -2.000000e+00 : f32
    %mul3A_207 = vector.broadcast %mul3A_206 : f32 to vector<16x40960xf32>
    %mul3A_208 = arith.mulf %mul3A_207, %integer_pow3A : vector<16x40960xf32>
    %exp3A = math.exp %mul3A_208 : vector<16x40960xf32>
    %get3A_209 = arith.constant 0 : index
    %get3A_210 = arith.constant 0 : index
    %get3A_211 = vector.load %arg6[%get3A_209, %get3A_210] : memref<16x32xf32, #tpu.memory_space<vmem>>, vector<16x32xf32>
    %dot_general3A_212 = arith.constant dense<0.000000e+00> : vector<32x40960xf32>
    %dot_general3A_213 = tpu.matmul %get3A_211, %exp3A, %dot_general3A_212 {dimension_numbers = #tpu.dot_dimension_numbers<[0], [0], [1], [1], [0, 1, 1, 1], [], []>, transpose_lhs_hint = false} : vector<16x32xf32>, vector<16x40960xf32>, vector<32x40960xf32> -> vector<32x40960xf32>
    %get3A_214 = arith.constant 0 : index
    %get3A_215 = arith.constant 0 : index
    %get3A_216 = vector.load %arg7[%get3A_214, %get3A_215] : memref<32x1xf32, #tpu.memory_space<vmem>>, vector<32x1xf32>
    %add3A_217 = vector.broadcast %get3A_216 : vector<32x1xf32> to vector<32x40960xf32>
    %add3A_218 = arith.addf %dot_general3A_213, %add3A_217 : vector<32x40960xf32>
    %max3A = arith.constant 0.000000e+00 : f32
    %max3A_219 = vector.broadcast %max3A : f32 to vector<32x40960xf32>
    %max3A_220 = arith.maximumf %add3A_218, %max3A_219 : vector<32x40960xf32>
    %abs3A = math.absf %add3A_218 : vector<32x40960xf32>
    %neg3A = arith.constant 0.000000e+00 : f32
    %neg3A_221 = vector.broadcast %neg3A : f32 to vector<32x40960xf32>
    %neg3A_222 = arith.subf %neg3A_221, %abs3A : vector<32x40960xf32>
    %exp3A_223 = math.exp %neg3A_222 : vector<32x40960xf32>
    %log1p3A = math.log1p %exp3A_223 : vector<32x40960xf32>
    %add3A_224 = arith.addf %max3A_220, %log1p3A : vector<32x40960xf32>
    %get3A_225 = arith.constant 0 : index
    %get3A_226 = arith.constant 0 : index
    %get3A_227 = vector.load %arg3[%get3A_225, %get3A_226] : memref<1x40960xf32, #tpu.memory_space<vmem>>, vector<1x40960xf32>
    %mul3A_228 = vector.broadcast %get3A_227 : vector<1x40960xf32> to vector<32x40960xf32>
    %mul3A_229 = arith.mulf %add3A_224, %mul3A_228 : vector<32x40960xf32>
    %get3A_230 = arith.constant 0 : index
    %get3A_231 = arith.constant 0 : index
    %get3A_232 = vector.load %arg8[%get3A_230, %get3A_231] : memref<32x64xf32, #tpu.memory_space<vmem>>, vector<32x64xf32>
    %dot_general3A_233 = arith.constant dense<0.000000e+00> : vector<40960x64xf32>
    %dot_general3A_234 = tpu.matmul %mul3A_229, %get3A_232, %dot_general3A_233 {dimension_numbers = #tpu.dot_dimension_numbers<[0], [0], [1], [1], [0, 1, 1, 1], [], []>, transpose_lhs_hint = false} : vector<32x40960xf32>, vector<32x64xf32>, vector<40960x64xf32> -> vector<40960x64xf32>
    %get3A_235 = arith.constant 0 : index
    %get3A_236 = arith.constant 0 : index
    %get3A_237 = vector.load %arg4[%get3A_235, %get3A_236] : memref<1536x128xf32, #tpu.memory_space<vmem>>, vector<1536x64xf32>
    %reshape3A = vector.shape_cast %dot_general3A_234 : vector<40960x64xf32> to vector<64x640x64xf32>
    %slice3A_238 = vector.extract_strided_slice %reshape3A {offsets = [0, 0, 0], sizes = [64, 576, 64], strides = [1, 1, 1]} : vector<64x640x64xf32> to vector<64x576x64xf32>
    %reshape3A_239 = vector.shape_cast %slice3A_238 : vector<64x576x64xf32> to vector<64x24x24x64xf32>
    %reshape3A_240 = vector.shape_cast %get3A_237 : vector<1536x64xf32> to vector<64x24x64xf32>
    %reshape3A_241 = vector.shape_cast %reshape3A_240 : vector<64x24x64xf32> to vector<64x24x1x64xf32>
    %mul3A_242 = vector.broadcast %reshape3A_241 : vector<64x24x1x64xf32> to vector<64x24x24x64xf32>
    %mul3A_243 = arith.mulf %reshape3A_239, %mul3A_242 : vector<64x24x24x64xf32>
    %reduce_sum3A_244 = arith.constant dense<0.000000e+00> : vector<64x24x64xf32>
    %reduce_sum3A_245 = vector.multi_reduction <add>, %mul3A_243, %reduce_sum3A_244 [1] : vector<64x24x24x64xf32> to vector<64x24x64xf32>
    %reshape3A_246 = vector.shape_cast %reduce_sum3A_245 : vector<64x24x64xf32> to vector<1536x64xf32>
    %get3A_247 = arith.constant 0 : index
    %get3A_248 = arith.constant 0 : index
    %get3A_249 = vector.load %arg9[%get3A_247, %get3A_248] : memref<1x64xf32, #tpu.memory_space<vmem>>, vector<1x64xf32>
    %mul3A_250 = vector.broadcast %get3A_249 : vector<1x64xf32> to vector<1536x64xf32>
    %mul3A_251 = arith.mulf %mul3A_250, %get3A_237 : vector<1536x64xf32>
    %get3A_252 = arith.constant 0 : index
    %get3A_253 = arith.constant 0 : index
    %get3A_254 = vector.load %arg10[%get3A_252, %get3A_253] : memref<64x64xf32, #tpu.memory_space<vmem>>, vector<64x64xf32>
    %dot_general3A_255 = arith.constant dense<0.000000e+00> : vector<1536x64xf32>
    %dot_general3A_256 = tpu.matmul %mul3A_251, %get3A_254, %dot_general3A_255 {dimension_numbers = #tpu.dot_dimension_numbers<[1], [0], [0], [1], [0, 0, 1, 1], [], []>, transpose_lhs_hint = false} : vector<1536x64xf32>, vector<64x64xf32>, vector<1536x64xf32> -> vector<1536x64xf32>
    %reshape3A_257 = vector.shape_cast %dot_general3A_256 : vector<1536x64xf32> to vector<64x24x64xf32>
    %reduce_sum3A_258 = arith.constant dense<0.000000e+00> : vector<64x64xf32>
    %reduce_sum3A_259 = vector.multi_reduction <add>, %reshape3A_257, %reduce_sum3A_258 [1] : vector<64x24x64xf32> to vector<64x64xf32>
    %broadcast_in_dim3A_260 = vector.shape_cast %reduce_sum3A_259 : vector<64x64xf32> to vector<64x1x64xf32>
    %broadcast_in_dim3A_261 = vector.shape_cast %broadcast_in_dim3A_260 : vector<64x1x64xf32> to vector<64x1x64xf32>
    %broadcast_in_dim3A_262 = vector.broadcast %broadcast_in_dim3A_261 : vector<64x1x64xf32> to vector<64x24x64xf32>
    %reshape3A_263 = vector.shape_cast %broadcast_in_dim3A_262 : vector<64x24x64xf32> to vector<1536x64xf32>
    %sub3A_264 = arith.subf %reshape3A_263, %dot_general3A_256 : vector<1536x64xf32>
    %get3A_265 = arith.constant 0 : index
    %get3A_266 = arith.constant 0 : index
    %get3A_267 = vector.load %arg10[%get3A_265, %get3A_266] : memref<64x64xf32, #tpu.memory_space<vmem>>, vector<64x64xf32>
    %dot_general3A_268 = arith.constant dense<0.000000e+00> : vector<1536x64xf32>
    %dot_general3A_269 = tpu.matmul %reshape3A_246, %get3A_267, %dot_general3A_268 {dimension_numbers = #tpu.dot_dimension_numbers<[1], [0], [0], [1], [0, 0, 1, 1], [], []>, transpose_lhs_hint = false} : vector<1536x64xf32>, vector<64x64xf32>, vector<1536x64xf32> -> vector<1536x64xf32>
    %add3A_270 = arith.addf %dot_general3A_269, %sub3A_264 : vector<1536x64xf32>
    %get3A_271 = arith.constant 0 : index
    %get3A_272 = arith.constant 0 : index
    %get3A_273 = vector.load %arg11[%get3A_271, %get3A_272] : memref<1x64xf32, #tpu.memory_space<vmem>>, vector<1x64xf32>
    %add3A_274 = vector.broadcast %get3A_273 : vector<1x64xf32> to vector<1536x64xf32>
    %add3A_275 = arith.addf %add3A_270, %add3A_274 : vector<1536x64xf32>
    %max3A_276 = arith.constant 0.000000e+00 : f32
    %max3A_277 = vector.broadcast %max3A_276 : f32 to vector<1536x64xf32>
    %max3A_278 = arith.maximumf %add3A_275, %max3A_277 : vector<1536x64xf32>
    %abs3A_279 = math.absf %add3A_275 : vector<1536x64xf32>
    %neg3A_280 = arith.constant 0.000000e+00 : f32
    %neg3A_281 = vector.broadcast %neg3A_280 : f32 to vector<1536x64xf32>
    %neg3A_282 = arith.subf %neg3A_281, %abs3A_279 : vector<1536x64xf32>
    %exp3A_283 = math.exp %neg3A_282 : vector<1536x64xf32>
    %log1p3A_284 = math.log1p %exp3A_283 : vector<1536x64xf32>
    %add3A_285 = arith.addf %max3A_278, %log1p3A_284 : vector<1536x64xf32>
    %get3A_286 = arith.constant 0 : index
    %get3A_287 = arith.constant 0 : index
    %get3A_288 = vector.load %arg12[%get3A_286, %get3A_287] : memref<64x64xf32, #tpu.memory_space<vmem>>, vector<64x64xf32>
    %dot_general3A_289 = arith.constant dense<0.000000e+00> : vector<1536x64xf32>
    %dot_general3A_290 = tpu.matmul %add3A_285, %get3A_288, %dot_general3A_289 {dimension_numbers = #tpu.dot_dimension_numbers<[1], [0], [0], [1], [0, 0, 1, 1], [], []>, transpose_lhs_hint = false} : vector<1536x64xf32>, vector<64x64xf32>, vector<1536x64xf32> -> vector<1536x64xf32>
    %get3A_291 = arith.constant 0 : index
    %get3A_292 = arith.constant 0 : index
    %get3A_293 = vector.load %arg13[%get3A_291, %get3A_292] : memref<1x64xf32, #tpu.memory_space<vmem>>, vector<1x64xf32>
    %add3A_294 = vector.broadcast %get3A_293 : vector<1x64xf32> to vector<1536x64xf32>
    %add3A_295 = arith.addf %dot_general3A_290, %add3A_294 : vector<1536x64xf32>
    %add3A_296 = arith.addf %get3A_237, %add3A_295 : vector<1536x64xf32>
    %reshape3A_297 = vector.shape_cast %add3A_296 : vector<1536x64xf32> to vector<64x24x64xf32>
    %reshape3A_298 = vector.shape_cast %reshape3A_297 : vector<64x24x64xf32> to vector<64x24x1x64xf32>
    %mul3A_299 = vector.broadcast %reshape3A_298 : vector<64x24x1x64xf32> to vector<64x24x24x64xf32>
    %mul3A_300 = arith.mulf %reshape3A_239, %mul3A_299 : vector<64x24x24x64xf32>
    %reduce_sum3A_301 = arith.constant dense<0.000000e+00> : vector<64x24x64xf32>
    %reduce_sum3A_302 = vector.multi_reduction <add>, %mul3A_300, %reduce_sum3A_301 [1] : vector<64x24x24x64xf32> to vector<64x24x64xf32>
    %reshape3A_303 = vector.shape_cast %reduce_sum3A_302 : vector<64x24x64xf32> to vector<1536x64xf32>
    %get3A_304 = arith.constant 0 : index
    %get3A_305 = arith.constant 0 : index
    %get3A_306 = vector.load %arg9[%get3A_304, %get3A_305] : memref<1x64xf32, #tpu.memory_space<vmem>>, vector<1x64xf32>
    %mul3A_307 = vector.broadcast %get3A_306 : vector<1x64xf32> to vector<1536x64xf32>
    %mul3A_308 = arith.mulf %mul3A_307, %add3A_296 : vector<1536x64xf32>
    %get3A_309 = arith.constant 0 : index
    %get3A_310 = arith.constant 0 : index
    %get3A_311 = vector.load %arg10[%get3A_309, %get3A_310] : memref<64x64xf32, #tpu.memory_space<vmem>>, vector<64x64xf32>
    %dot_general3A_312 = arith.constant dense<0.000000e+00> : vector<1536x64xf32>
    %dot_general3A_313 = tpu.matmul %mul3A_308, %get3A_311, %dot_general3A_312 {dimension_numbers = #tpu.dot_dimension_numbers<[1], [0], [0], [1], [0, 0, 1, 1], [], []>, transpose_lhs_hint = false} : vector<1536x64xf32>, vector<64x64xf32>, vector<1536x64xf32> -> vector<1536x64xf32>
    %reshape3A_314 = vector.shape_cast %dot_general3A_313 : vector<1536x64xf32> to vector<64x24x64xf32>
    %reduce_sum3A_315 = arith.constant dense<0.000000e+00> : vector<64x64xf32>
    %reduce_sum3A_316 = vector.multi_reduction <add>, %reshape3A_314, %reduce_sum3A_315 [1] : vector<64x24x64xf32> to vector<64x64xf32>
    %broadcast_in_dim3A_317 = vector.shape_cast %reduce_sum3A_316 : vector<64x64xf32> to vector<64x1x64xf32>
    %broadcast_in_dim3A_318 = vector.shape_cast %broadcast_in_dim3A_317 : vector<64x1x64xf32> to vector<64x1x64xf32>
    %broadcast_in_dim3A_319 = vector.broadcast %broadcast_in_dim3A_318 : vector<64x1x64xf32> to vector<64x24x64xf32>
    %reshape3A_320 = vector.shape_cast %broadcast_in_dim3A_319 : vector<64x24x64xf32> to vector<1536x64xf32>
    %sub3A_321 = arith.subf %reshape3A_320, %dot_general3A_313 : vector<1536x64xf32>
    %get3A_322 = arith.constant 0 : index
    %get3A_323 = arith.constant 0 : index
    %get3A_324 = vector.load %arg10[%get3A_322, %get3A_323] : memref<64x64xf32, #tpu.memory_space<vmem>>, vector<64x64xf32>
    %dot_general3A_325 = arith.constant dense<0.000000e+00> : vector<1536x64xf32>
    %dot_general3A_326 = tpu.matmul %reshape3A_303, %get3A_324, %dot_general3A_325 {dimension_numbers = #tpu.dot_dimension_numbers<[1], [0], [0], [1], [0, 0, 1, 1], [], []>, transpose_lhs_hint = false} : vector<1536x64xf32>, vector<64x64xf32>, vector<1536x64xf32> -> vector<1536x64xf32>
    %add3A_327 = arith.addf %dot_general3A_326, %sub3A_321 : vector<1536x64xf32>
    %get3A_328 = arith.constant 0 : index
    %get3A_329 = arith.constant 0 : index
    %get3A_330 = vector.load %arg11[%get3A_328, %get3A_329] : memref<1x64xf32, #tpu.memory_space<vmem>>, vector<1x64xf32>
    %add3A_331 = vector.broadcast %get3A_330 : vector<1x64xf32> to vector<1536x64xf32>
    %add3A_332 = arith.addf %add3A_327, %add3A_331 : vector<1536x64xf32>
    %max3A_333 = arith.constant 0.000000e+00 : f32
    %max3A_334 = vector.broadcast %max3A_333 : f32 to vector<1536x64xf32>
    %max3A_335 = arith.maximumf %add3A_332, %max3A_334 : vector<1536x64xf32>
    %abs3A_336 = math.absf %add3A_332 : vector<1536x64xf32>
    %neg3A_337 = arith.constant 0.000000e+00 : f32
    %neg3A_338 = vector.broadcast %neg3A_337 : f32 to vector<1536x64xf32>
    %neg3A_339 = arith.subf %neg3A_338, %abs3A_336 : vector<1536x64xf32>
    %exp3A_340 = math.exp %neg3A_339 : vector<1536x64xf32>
    %log1p3A_341 = math.log1p %exp3A_340 : vector<1536x64xf32>
    %add3A_342 = arith.addf %max3A_335, %log1p3A_341 : vector<1536x64xf32>
    %get3A_343 = arith.constant 0 : index
    %get3A_344 = arith.constant 0 : index
    %get3A_345 = vector.load %arg12[%get3A_343, %get3A_344] : memref<64x64xf32, #tpu.memory_space<vmem>>, vector<64x64xf32>
    %dot_general3A_346 = arith.constant dense<0.000000e+00> : vector<1536x64xf32>
    %dot_general3A_347 = tpu.matmul %add3A_342, %get3A_345, %dot_general3A_346 {dimension_numbers = #tpu.dot_dimension_numbers<[1], [0], [0], [1], [0, 0, 1, 1], [], []>, transpose_lhs_hint = false} : vector<1536x64xf32>, vector<64x64xf32>, vector<1536x64xf32> -> vector<1536x64xf32>
    %get3A_348 = arith.constant 0 : index
    %get3A_349 = arith.constant 0 : index
    %get3A_350 = vector.load %arg13[%get3A_348, %get3A_349] : memref<1x64xf32, #tpu.memory_space<vmem>>, vector<1x64xf32>
    %add3A_351 = vector.broadcast %get3A_350 : vector<1x64xf32> to vector<1536x64xf32>
    %add3A_352 = arith.addf %dot_general3A_347, %add3A_351 : vector<1536x64xf32>
    %add3A_353 = arith.addf %add3A_296, %add3A_352 : vector<1536x64xf32>
    %reshape3A_354 = vector.shape_cast %add3A_353 : vector<1536x64xf32> to vector<64x24x64xf32>
    %reshape3A_355 = vector.shape_cast %reshape3A_354 : vector<64x24x64xf32> to vector<64x24x1x64xf32>
    %mul3A_356 = vector.broadcast %reshape3A_355 : vector<64x24x1x64xf32> to vector<64x24x24x64xf32>
    %mul3A_357 = arith.mulf %reshape3A_239, %mul3A_356 : vector<64x24x24x64xf32>
    %reduce_sum3A_358 = arith.constant dense<0.000000e+00> : vector<64x24x64xf32>
    %reduce_sum3A_359 = vector.multi_reduction <add>, %mul3A_357, %reduce_sum3A_358 [1] : vector<64x24x24x64xf32> to vector<64x24x64xf32>
    %reshape3A_360 = vector.shape_cast %reduce_sum3A_359 : vector<64x24x64xf32> to vector<1536x64xf32>
    %get3A_361 = arith.constant 0 : index
    %get3A_362 = arith.constant 0 : index
    %get3A_363 = vector.load %arg9[%get3A_361, %get3A_362] : memref<1x64xf32, #tpu.memory_space<vmem>>, vector<1x64xf32>
    %mul3A_364 = vector.broadcast %get3A_363 : vector<1x64xf32> to vector<1536x64xf32>
    %mul3A_365 = arith.mulf %mul3A_364, %add3A_353 : vector<1536x64xf32>
    %get3A_366 = arith.constant 0 : index
    %get3A_367 = arith.constant 0 : index
    %get3A_368 = vector.load %arg10[%get3A_366, %get3A_367] : memref<64x64xf32, #tpu.memory_space<vmem>>, vector<64x64xf32>
    %dot_general3A_369 = arith.constant dense<0.000000e+00> : vector<1536x64xf32>
    %dot_general3A_370 = tpu.matmul %mul3A_365, %get3A_368, %dot_general3A_369 {dimension_numbers = #tpu.dot_dimension_numbers<[1], [0], [0], [1], [0, 0, 1, 1], [], []>, transpose_lhs_hint = false} : vector<1536x64xf32>, vector<64x64xf32>, vector<1536x64xf32> -> vector<1536x64xf32>
    %reshape3A_371 = vector.shape_cast %dot_general3A_370 : vector<1536x64xf32> to vector<64x24x64xf32>
    %reduce_sum3A_372 = arith.constant dense<0.000000e+00> : vector<64x64xf32>
    %reduce_sum3A_373 = vector.multi_reduction <add>, %reshape3A_371, %reduce_sum3A_372 [1] : vector<64x24x64xf32> to vector<64x64xf32>
    %broadcast_in_dim3A_374 = vector.shape_cast %reduce_sum3A_373 : vector<64x64xf32> to vector<64x1x64xf32>
    %broadcast_in_dim3A_375 = vector.shape_cast %broadcast_in_dim3A_374 : vector<64x1x64xf32> to vector<64x1x64xf32>
    %broadcast_in_dim3A_376 = vector.broadcast %broadcast_in_dim3A_375 : vector<64x1x64xf32> to vector<64x24x64xf32>
    %reshape3A_377 = vector.shape_cast %broadcast_in_dim3A_376 : vector<64x24x64xf32> to vector<1536x64xf32>
    %sub3A_378 = arith.subf %reshape3A_377, %dot_general3A_370 : vector<1536x64xf32>
    %get3A_379 = arith.constant 0 : index
    %get3A_380 = arith.constant 0 : index
    %get3A_381 = vector.load %arg10[%get3A_379, %get3A_380] : memref<64x64xf32, #tpu.memory_space<vmem>>, vector<64x64xf32>
    %dot_general3A_382 = arith.constant dense<0.000000e+00> : vector<1536x64xf32>
    %dot_general3A_383 = tpu.matmul %reshape3A_360, %get3A_381, %dot_general3A_382 {dimension_numbers = #tpu.dot_dimension_numbers<[1], [0], [0], [1], [0, 0, 1, 1], [], []>, transpose_lhs_hint = false} : vector<1536x64xf32>, vector<64x64xf32>, vector<1536x64xf32> -> vector<1536x64xf32>
    %add3A_384 = arith.addf %dot_general3A_383, %sub3A_378 : vector<1536x64xf32>
    %get3A_385 = arith.constant 0 : index
    %get3A_386 = arith.constant 0 : index
    %get3A_387 = vector.load %arg11[%get3A_385, %get3A_386] : memref<1x64xf32, #tpu.memory_space<vmem>>, vector<1x64xf32>
    %add3A_388 = vector.broadcast %get3A_387 : vector<1x64xf32> to vector<1536x64xf32>
    %add3A_389 = arith.addf %add3A_384, %add3A_388 : vector<1536x64xf32>
    %max3A_390 = arith.constant 0.000000e+00 : f32
    %max3A_391 = vector.broadcast %max3A_390 : f32 to vector<1536x64xf32>
    %max3A_392 = arith.maximumf %add3A_389, %max3A_391 : vector<1536x64xf32>
    %abs3A_393 = math.absf %add3A_389 : vector<1536x64xf32>
    %neg3A_394 = arith.constant 0.000000e+00 : f32
    %neg3A_395 = vector.broadcast %neg3A_394 : f32 to vector<1536x64xf32>
    %neg3A_396 = arith.subf %neg3A_395, %abs3A_393 : vector<1536x64xf32>
    %exp3A_397 = math.exp %neg3A_396 : vector<1536x64xf32>
    %log1p3A_398 = math.log1p %exp3A_397 : vector<1536x64xf32>
    %add3A_399 = arith.addf %max3A_392, %log1p3A_398 : vector<1536x64xf32>
    %get3A_400 = arith.constant 0 : index
    %get3A_401 = arith.constant 0 : index
    %get3A_402 = vector.load %arg12[%get3A_400, %get3A_401] : memref<64x64xf32, #tpu.memory_space<vmem>>, vector<64x64xf32>
    %dot_general3A_403 = arith.constant dense<0.000000e+00> : vector<1536x64xf32>
    %dot_general3A_404 = tpu.matmul %add3A_399, %get3A_402, %dot_general3A_403 {dimension_numbers = #tpu.dot_dimension_numbers<[1], [0], [0], [1], [0, 0, 1, 1], [], []>, transpose_lhs_hint = false} : vector<1536x64xf32>, vector<64x64xf32>, vector<1536x64xf32> -> vector<1536x64xf32>
    %get3A_405 = arith.constant 0 : index
    %get3A_406 = arith.constant 0 : index
    %get3A_407 = vector.load %arg13[%get3A_405, %get3A_406] : memref<1x64xf32, #tpu.memory_space<vmem>>, vector<1x64xf32>
    %add3A_408 = vector.broadcast %get3A_407 : vector<1x64xf32> to vector<1536x64xf32>
    %add3A_409 = arith.addf %dot_general3A_404, %add3A_408 : vector<1536x64xf32>
    %add3A_410 = arith.addf %add3A_353, %add3A_409 : vector<1536x64xf32>
    %get3A_411 = arith.constant 0 : index
    %get3A_412 = arith.constant 0 : index
    %get3A_413 = vector.load %arg14[%get3A_411, %get3A_412] : memref<64x64xf32, #tpu.memory_space<vmem>>, vector<64x64xf32>
    %dot_general3A_414 = arith.constant dense<0.000000e+00> : vector<1536x64xf32>
    %dot_general3A_415 = tpu.matmul %add3A_410, %get3A_413, %dot_general3A_414 {dimension_numbers = #tpu.dot_dimension_numbers<[1], [0], [0], [1], [0, 0, 1, 1], [], []>, transpose_lhs_hint = false} : vector<1536x64xf32>, vector<64x64xf32>, vector<1536x64xf32> -> vector<1536x64xf32>
    %get3A_416 = arith.constant 0 : index
    %get3A_417 = arith.constant 0 : index
    %get3A_418 = vector.load %arg15[%get3A_416, %get3A_417] : memref<1x64xf32, #tpu.memory_space<vmem>>, vector<1x64xf32>
    %add3A_419 = vector.broadcast %get3A_418 : vector<1x64xf32> to vector<1536x64xf32>
    %add3A_420 = arith.addf %dot_general3A_415, %add3A_419 : vector<1536x64xf32>
    %max3A_421 = arith.constant 0.000000e+00 : f32
    %max3A_422 = vector.broadcast %max3A_421 : f32 to vector<1536x64xf32>
    %max3A_423 = arith.maximumf %add3A_420, %max3A_422 : vector<1536x64xf32>
    %abs3A_424 = math.absf %add3A_420 : vector<1536x64xf32>
    %neg3A_425 = arith.constant 0.000000e+00 : f32
    %neg3A_426 = vector.broadcast %neg3A_425 : f32 to vector<1536x64xf32>
    %neg3A_427 = arith.subf %neg3A_426, %abs3A_424 : vector<1536x64xf32>
    %exp3A_428 = math.exp %neg3A_427 : vector<1536x64xf32>
    %log1p3A_429 = math.log1p %exp3A_428 : vector<1536x64xf32>
    %add3A_430 = arith.addf %max3A_423, %log1p3A_429 : vector<1536x64xf32>
    %get3A_431 = arith.constant 0 : index
    %get3A_432 = arith.constant 0 : index
    %get3A_433 = vector.load %arg16[%get3A_431, %get3A_432] : memref<1x64xf32, #tpu.memory_space<vmem>>, vector<1x64xf32>
    %mul3A_434 = vector.broadcast %get3A_433 : vector<1x64xf32> to vector<1536x64xf32>
    %mul3A_435 = arith.mulf %add3A_430, %mul3A_434 : vector<1536x64xf32>
    %reduce_sum3A_436 = arith.constant dense<0.000000e+00> : vector<1536xf32>
    %reduce_sum3A_437 = vector.multi_reduction <add>, %mul3A_435, %reduce_sum3A_436 [1] : vector<1536x64xf32> to vector<1536xf32>
    %broadcast_in_dim3A_438 = vector.shape_cast %reduce_sum3A_437 : vector<1536xf32> to vector<1536x1xf32>
    %get3A_439 = arith.constant 0 : index
    %get3A_440 = arith.constant 0 : index
    %get3A_441 = vector.load %arg17[%get3A_439, %get3A_440] : memref<1x1xf32, #tpu.memory_space<vmem>>, vector<1x1xf32>
    %add3A_442 = vector.broadcast %get3A_441 : vector<1x1xf32> to vector<1536x1xf32>
    %add3A_443 = arith.addf %broadcast_in_dim3A_438, %add3A_442 : vector<1536x1xf32>
    %reshape3A_444 = vector.shape_cast %add3A_443 : vector<1536x1xf32> to vector<64x24x1xf32>
    %reduce_sum3A_445 = arith.constant dense<0.000000e+00> : vector<64x1xf32>
    %reduce_sum3A_446 = vector.multi_reduction <add>, %reshape3A_444, %reduce_sum3A_445 [1] : vector<64x24x1xf32> to vector<64x1xf32>
    %swap3A = arith.constant 0 : index
    %swap3A_447 = arith.constant 0 : index
    %swap3A_448 = vector.load %arg18[%swap3A, %swap3A_447] : memref<64x1xf32, #tpu.memory_space<vmem>>, vector<64x1xf32>
    tpu.vector_store %arg18[%swap3A, %swap3A_447], %reduce_sum3A_446 {strides = array<i32>} : memref<64x1xf32, #tpu.memory_space<vmem>>, vector<64x1xf32>,
    return
  }
  func.func @transform_0(%arg0: i32) -> (i32, i32, i32, i32) {
    %c0_i32 = arith.constant 0 : i32
    %c0_i32_0 = arith.constant 0 : i32
    %c0_i32_1 = arith.constant 0 : i32
    %c0_i32_2 = arith.constant 0 : i32
    return %c0_i32, %arg0, %c0_i32_0, %c0_i32_1 : i32, i32, i32, i32
  }
  func.func @transform_1(%arg0: i32) -> (i32, i32) {
    %c0_i32 = arith.constant 0 : i32
    %c0_i32_0 = arith.constant 0 : i32
    %c0_i32_1 = arith.constant 0 : i32
    return %c0_i32, %c0_i32_0 : i32, i32
  }
  func.func @transform_2(%arg0: i32) -> (i32, i32) {
    %c0_i32 = arith.constant 0 : i32
    %c0_i32_0 = arith.constant 0 : i32
    %c0_i32_1 = arith.constant 0 : i32
    return %c0_i32, %c0_i32_0 : i32, i32
  }
  func.func @transform_3(%arg0: i32) -> (i32, i32) {
    %c0_i32 = arith.constant 0 : i32
    %c0_i32_0 = arith.constant 0 : i32
    return %arg0, %c0_i32 : i32, i32
  }
  func.func @transform_4(%arg0: i32) -> (i32, i32) {
    %c0_i32 = arith.constant 0 : i32
    %c0_i32_0 = arith.constant 0 : i32
    %c0_i32_1 = arith.constant 0 : i32
    return %c0_i32, %c0_i32_0 : i32, i32
  }
  func.func @transform_5(%arg0: i32) -> (i32, i32) {
    %c0_i32 = arith.constant 0 : i32
    %c0_i32_0 = arith.constant 0 : i32
    %c0_i32_1 = arith.constant 0 : i32
    return %c0_i32, %c0_i32_0 : i32, i32
  }
  func.func @transform_6(%arg0: i32) -> (i32, i32) {
    %c0_i32 = arith.constant 0 : i32
    %c0_i32_0 = arith.constant 0 : i32
    %c0_i32_1 = arith.constant 0 : i32
    return %c0_i32, %c0_i32_0 : i32, i32
  }
  func.func @transform_7(%arg0: i32) -> (i32, i32) {
    %c0_i32 = arith.constant 0 : i32
    %c0_i32_0 = arith.constant 0 : i32
    %c0_i32_1 = arith.constant 0 : i32
    return %c0_i32, %c0_i32_0 : i32, i32
  }
  func.func @transform_8(%arg0: i32) -> (i32, i32) {
    %c0_i32 = arith.constant 0 : i32
    %c0_i32_0 = arith.constant 0 : i32
    %c0_i32_1 = arith.constant 0 : i32
    return %c0_i32, %c0_i32_0 : i32, i32
  }
  func.func @transform_9(%arg0: i32) -> (i32, i32) {
    %c0_i32 = arith.constant 0 : i32
    %c0_i32_0 = arith.constant 0 : i32
    %c0_i32_1 = arith.constant 0 : i32
    return %c0_i32, %c0_i32_0 : i32, i32
  }
  func.func @transform_10(%arg0: i32) -> (i32, i32) {
    %c0_i32 = arith.constant 0 : i32
    %c0_i32_0 = arith.constant 0 : i32
    %c0_i32_1 = arith.constant 0 : i32
    return %c0_i32, %c0_i32_0 : i32, i32
  }
  func.func @transform_11(%arg0: i32) -> (i32, i32) {
    %c0_i32 = arith.constant 0 : i32
    %c0_i32_0 = arith.constant 0 : i32
    %c0_i32_1 = arith.constant 0 : i32
    return %c0_i32, %c0_i32_0 : i32, i32
  }
  func.func @transform_12(%arg0: i32) -> (i32, i32) {
    %c0_i32 = arith.constant 0 : i32
    %c0_i32_0 = arith.constant 0 : i32
    %c0_i32_1 = arith.constant 0 : i32
    return %c0_i32, %c0_i32_0 : i32, i32
  }
  func.func @transform_13(%arg0: i32) -> (i32, i32) {
    %c0_i32 = arith.constant 0 : i32
    %c0_i32_0 = arith.constant 0 : i32
    %c0_i32_1 = arith.constant 0 : i32
    return %c0_i32, %c0_i32_0 : i32, i32
  }
  func.func @transform_14(%arg0: i32) -> (i32, i32) {
    %c0_i32 = arith.constant 0 : i32
    %c0_i32_0 = arith.constant 0 : i32
    %c0_i32_1 = arith.constant 0 : i32
    return %c0_i32, %c0_i32_0 : i32, i32
  }
  func.func @transform_15(%arg0: i32) -> (i32, i32) {
    %c0_i32 = arith.constant 0 : i32
    %c0_i32_0 = arith.constant 0 : i32
    %c0_i32_1 = arith.constant 0 : i32
    return %c0_i32, %c0_i32_0 : i32, i32
  }
  func.func @transform_16(%arg0: i32) -> (i32, i32) {
    %c0_i32 = arith.constant 0 : i32
    %c0_i32_0 = arith.constant 0 : i32
    %c0_i32_1 = arith.constant 0 : i32
    return %c0_i32, %c0_i32_0 : i32, i32
  }
  func.func @transform_17(%arg0: i32) -> (i32, i32) {
    %c0_i32 = arith.constant 0 : i32
    %c0_i32_0 = arith.constant 0 : i32
    return %arg0, %c0_i32 : i32, i32
  }
}

</mosaic_0001>

<sc_bundles>
// kernel: kernel.4.cloned.1.call-start
scs
__scs_entry_jumppad:
0x0: {  	(pc) =	sbr.rel $0x88, $3  }
0x1: {  	(tag) =	ssettag $0x0;
	lr =	simm.s32 $0x1  }
0x2: {  	[smem:$0x3F93] =	sst lr;
	_ =	strace $0xD0000000  }
0x3: {  	_ = 	snop  }
0x4: {  	_ = 	snop  }
0x5: {  	_ = 	snop  }
0x6: {  	_ = 	snop  }
0x7: {  	_ = 	snop  }
__scs_overlays_trampoline_lowered:
0x8: {  	[smem:$0x3FA2] =	sst s0  }
0x9: {  	[smem:$0x3FA3] =	sst s1  }
0xa: {  	[smem:$0x3FA4] =	sst s2  }
0xb: {  	[smem:$0x3FA5] =	sst s3  }
0xc: {  	[smem:$0x3FA6] =	sst s4  }
0xd: {  	[smem:$0x3FA7] =	sst s5  }
0xe: {  	[smem:$0x3FA8] =	sst s6  }
0xf: {  	[smem:$0x3FA9] =	sst s7  }
0x10: {  	[smem:$0x3FAA] =	sst s8  }
0x11: {  	[smem:$0x3FAB] =	sst s9;
	s0 =	simm.s32 @!p0 $0x0  }
0x12: {  	s1 =	sld [smem:$0x3F91];
	s0 =	simm.s32 @p0 $0x1  }
0x13: {  	[smem:$0x3FAC] =	sst s0;
	s0 =	simm.s32 @!p1 $0x0  }
0x14: {  	s2 =	sld [smem:$0x3F90];
	s0 =	simm.s32 @p1 $0x1  }
0x15: {  	[smem:$0x3FAD] =	sst s0;
	s0 =	simm.s32 @!p2 $0x0  }
0x16: {  	s3 =	sld [smem:$0x3FDB];
	s0 =	simm.s32 @p2 $0x1  }
0x17: {  	s4 =	simm.s32 $0x1BF5;
	[smem:$0x3FAF] =	sst s0  }
0x18: {  	s0 =	sld [smem:$0x3F92];
	_ =	swait.ge [sflag:s4], $0x0  }
0x19: {  	s7 =	sld [smem:$0x3F93]  }
0x1a: {  	s8 =	sadd.s32 $0xFFFFE003, lr  }
0x1b: {  	s9 =	sadd.s32 $0xFFFFFEF7, lr;
	s5 =	simm.s32 $0xFFFFFFFF;
	p2 =	slt.u32 s8, $0xFFFFF086  }
0x1c: {  	p1 =	slt.u32 s9, $0xF7A;
	s5 =	simm.s32 @!p2 $0x0  }
0x1d: {  	s5 =	simm.s32 @p1 $0x1;
	p0 =	seq.s32 s7, s2  }
0x1e: {  	s7 =	smul.u32 @!p0 $0xF7A, s2;
	p2 =	seq.s32 @!p0 s5, $0x0  }
0x1f: {  	s9 =	smul.u32 $0xF7A, s1;
	s8 =	simm.s32 @!p0 $0x1BF5;
	p2 =	por !p2, p0  }
0x20: {  	[sflag:s8] =	ssyncset.s32 @!p0 $0xFFFFF086;
	s6 =	sadd.s32 @!p0 s3, s7;
	s7 =	simm.s32 @!p0 $0x108  }
0x21: {  	s3 =	sadd.s32 s3, s9;
	s6 =	sadd.s32 @!p0 $0x88, s6;
	s7 =	simm.s32 @p2 $0x1082  }
0x22: {  	[simem:s7], [sflag:s8] =	dma.local @!p0 [hbm:s6], $0xF7A  }
0x23: {  	s9 =	sor.u32 $0xD0000000, s2;
	s6 =	simm.s32 $0x108;
	_ =	swait.ge @!p0 [sflag:s8], $0x0  }
0x24: {  	s3 =	sadd.s32 $0x88, s3;
	s6 =	simm.s32 @!p1 $0x1082;
	[sflag:s4] =	ssyncset.s32 $0xFFFFF086  }
0x25: {  	[simem:s6], [sflag:s4] =	dma.local [hbm:s3], $0xF7A  }
0x26: {  	[smem:$0x3F93] =	sst s1;
	(tag) =	ssettag s2;
	_ =	strace s9  }
0x27: {  	s1 =	sld [smem:$0x3FA3]  }
0x28: {  	s2 =	sld [smem:$0x3FA4]  }
0x29: {  	s4 =	sld [smem:$0x3FA6]  }
0x2a: {  	p0 =	seq.s32 s5, $0x0;
	s5 =	sld [smem:$0x3FA7]  }
0x2b: {  	s6 =	sld [smem:$0x3FA8]  }
0x2c: {  	s7 =	sld [smem:$0x3FA9]  }
0x2d: {  	s3 =	simm.s32 $0x108;
	s8 =	sld [smem:$0x3FAA]  }
0x2e: {  	s3 =	simm.s32 @!p0 $0x1082;
	s9 =	sld [smem:$0x3FAB]  }
0x2f: {  	lr =	sadd.s32 s0, s3;
	s0 =	sld [smem:$0x3FA2]  }
0x30: {  	s3 =	sld [smem:$0x3FA5]  }
0x31: {  	[smem:$0x3FAE] =	sst s10  }
0x32: {  	s10 =	sld [smem:$0x3FAC];
	_ =	sdelay $0x3  }
0x33: {  	p0 =	seq.s32 s10, $0x1;
	s10 =	sld [smem:$0x3FAE];
	_ =	sdelay $0x3  }
0x34: {  	[smem:$0x3FAE] =	sst s10  }
0x35: {  	s10 =	sld [smem:$0x3FAD];
	_ =	sdelay $0x3  }
0x36: {  	p1 =	seq.s32 s10, $0x1;
	s10 =	sld [smem:$0x3FAE];
	_ =	sdelay $0x3  }
0x37: {  	[smem:$0x3FAE] =	sst s10  }
0x38: {  	s10 =	sld [smem:$0x3FAF]  }
0x39: {  	_ = 	snop;
	(pc) =	sbr.ind lr, $3  }
0x3a: {  	_ = 	snop  }
0x3b: {  	_ = 	snop  }
0x3c: {  	p2 =	seq.s32 s10, $0x1;
	s10 =	sld [smem:$0x3FAE]  }
0x3d: {  	_ =	shalt  }
0x3e: {  	_ =	shalt  }
0x3f: {  	_ =	shalt  }
0x40: {  	_ =	shalt  }
0x41: {  	_ =	shalt  }
0x42: {  	_ =	shalt  }
0x43: {  	_ =	shalt  }
0x44: {  	_ =	shalt  }
0x45: {  	_ =	shalt  }
0x46: {  	_ =	shalt  }
0x47: {  	_ =	shalt  }
0x48: {  	_ =	shalt  }
0x49: {  	_ =	shalt  }
0x4a: {  	_ =	shalt  }
0x4b: {  	_ =	shalt  }
0x4c: {  	_ =	shalt  }
0x4d: {  	_ =	shalt  }
0x4e: {  	_ =	shalt  }
0x4f: {  	_ =	shalt  }
0x50: {  	_ =	shalt  }
0x51: {  	_ =	shalt  }
0x52: {  	_ =	shalt  }
0x53: {  	_ =	shalt  }
0x54: {  	_ =	shalt  }
0x55: {  	_ =	shalt  }
0x56: {  	_ =	shalt  }
0x57: {  	_ =	shalt  }
0x58: {  	_ =	shalt  }
0x59: {  	_ =	shalt  }
0x5a: {  	_ =	shalt  }
0x5b: {  	_ =	shalt  }
0x5c: {  	_ =	shalt  }
0x5d: {  	_ =	shalt  }
0x5e: {  	_ =	shalt  }
0x5f: {  	_ =	shalt  }
0x60: {  	_ =	shalt  }
0x61: {  	_ =	shalt  }
0x62: {  	_ =	shalt  }
0x63: {  	_ =	shalt  }
0x64: {  	_ =	shalt  }
0x65: {  	_ =	shalt  }
0x66: {  	_ =	shalt  }
0x67: {  	_ =	shalt  }
0x68: {  	_ =	shalt  }
0x69: {  	_ =	shalt  }
0x6a: {  	_ =	shalt  }
0x6b: {  	_ =	shalt  }
0x6c: {  	_ =	shalt  }
0x6d: {  	_ =	shalt  }
0x6e: {  	_ =	shalt  }
0x6f: {  	_ =	shalt  }
0x70: {  	_ =	shalt  }
0x71: {  	_ =	shalt  }
0x72: {  	_ =	shalt  }
0x73: {  	_ =	shalt  }
0x74: {  	_ =	shalt  }
0x75: {  	_ =	shalt  }
0x76: {  	_ =	shalt  }
0x77: {  	_ =	shalt  }
0x78: {  	_ =	shalt  }
0x79: {  	_ =	shalt  }
0x7a: {  	_ =	shalt  }
0x7b: {  	_ =	shalt  }
0x7c: {  	_ =	shalt  }
0x7d: {  	_ =	shalt  }
0x7e: {  	_ =	shalt  }
0x7f: {  	_ =	shalt  }
0x80: {  	_ =	shalt  }
0x81: {  	_ =	shalt  }
0x82: {  	_ =	shalt  }
0x83: {  	_ =	shalt  }
0x84: {  	_ =	shalt  }
0x85: {  	_ =	shalt  }
0x86: {  	_ =	shalt  }
0x87: {  	_ =	shalt  }
.Lfunc_end0:
.L_simem_size_0:
called_computation_lowered:
.L_overlay_start_0:
0x88: {  	s2 =	sld [smem:$0x3FD9]  }
0x89: {  	s3 =	sld [smem:$0x3FFE];
	_ =	sdelay $0x1  }
0x8a: {  	s1 =	srdreg.scid  }
0x8b: {  	s0 =	sand.u32 $0x1, s1  }
0x8c: {  	s16 =	sshll.u32 s0, $0xA;
	s2 =	sadd.s32 s3, s2  }
0x8d: {  	s2 =	sadd.s32 s2, s16  }
0x8e: {  	[smem:$0x3FBA] =	sst s2  }
0x8f: {  	_ = 	snop  }
0x90: {  	(tm) =	ssettm $0x1  }
0x91: {  	s17 =	sld [smem:$0x3FFB];
	_ =	sdelay $0x3  }
0x92: {  	_ =	strace s17  }
0x93: {  	s2 =	sld [smem:$0x3FFC];
	_ =	sdelay $0x3  }
0x94: {  	_ =	strace s2  }
0x95: {  	s2 =	sld [smem:$0x3FFD];
	_ =	sdelay $0x3  }
0x96: {  	_ =	strace s2  }
0x97: {  	_ =	strace $0x8FFFFFFF  }
0x98: {  	s18 =	sld [smem:$0x3FDB];
	_ =	sdelay $0x1  }
0x99: {  	s19 =	simm.s32 $_scs_section_size  }
0x9a: {  	s4 =	simm.s32 $_size__tile_overlayer_lowered;
	s5 =	simm.s32 $_tile_overlayer_lowered  }
0x9b: {  	s22 =	simm.s32 $0x1BFF;
	s21 =	sshll.u32 s5, $0x1;
	s2 =	sadd.s32 s19, s18  }
0x9c: {  	s6 =	simm.s32 $0x0;
	s20 =	sshll.u32 s4, $0x1;
	s4 =	sadd.s32 s21, s2  }
0x9d: {  	[timem:s6], [sflag:s22] =	dma.local [hbm:s4], s20  }
0x9e: {  	_ =	swait.ge [sflag:s22], s20  }
0x9f: {  	s3 =	ssub.s32 $0x0, s20;
	[sflag:s22] =	ssyncset.done $0x0  }
0xa0: {  	[sflag:s22] =	ssyncadd.s32 s3;
	_ =	sdelay $0x1  }
0xa1: {  	s23 =	simm.s32 $0x1B8B  }
0xa2: {  	_ =	swait.ge [sflag:s23], $0x1  }
0xa3: {  	[sflag:s23] =	ssyncset.done $0x0  }
0xa4: {  	s25 =	simm.s32 $0x1B8E;
	s24 =	sld [smem:$0x3FFE];
	[sflag:s23] =	ssyncadd.s32 $0xFFFFFFFF  }
0xa5: {  	s26 =	simm.s32 $execute0_lowered;
	[smem:$0x3FD2] =	sst s25  }
0xa6: {  	s4 =	sshll.u32 s26, $0x1;
	_ =	strace $0x80000046;
	[dreg:$0x1] =	wrdreg $0xFFFFFFFF  }
0xa7: {  	s28 =	simm.s32 $_size_execute0_lowered;
	s2 =	sadd.s32 s2, s4;
	[dreg:$0x0] =	wrdreg $0x0  }
0xa8: {  	s4 =	sshll.u32 s28, $0x1;
	[dreg:$0x2] =	wrdreg s2  }
0xa9: {  	[dreg:$0x3] =	wrdreg s4  }
0xaa: {  	[dreg:$0x4] =	wrdreg $0xC0  }
0xab: {  	_ =	task [dreg:s6], $0x5FFFF  }
0xac: {  	[dreg:$0x1] =	wrdreg $0xFFFFFFFF  }
0xad: {  	[dreg:$0x0] =	wrdreg $0x60  }
0xae: {  	[dreg:$0x2] =	wrdreg s24  }
0xaf: {  	[dreg:$0x3] =	wrdreg $0x9  }
0xb0: {  	_ =	task.clear_ibuf [dreg:s6], $0x4FFFF;
	_ =	strace $0x90000046  }
0xb1: {  	s29 =	simm.s32 $0x9;
	_ =	strace $0x80000048  }
0xb2: {  	_ =	swait.ge [sflag:s29], $0x1  }
0xb3: {  	[sflag:s29] =	ssyncadd.s32 $0xFFFFFFFF  }
0xb4: {  	_ =	strace $0x90000048  }
0xb5: {  	_ =	sfence  }
0xb6: {  	s30 =	sld [smem:$0x0];
	_ =	sdelay $0x2  }
0xb7: {  	s31 =	sshll.u32 s1, $0xD;
	s1 =	sshrl.u32 s1, $0x2  }
0xb8: {  	s3 =	sand.u32 $0x4000, s31;
	s1 =	sadd.s32 s1, s30  }
0xb9: {  	s0 =	sor.u32 s3, s0;
	s1 =	sshll.u32 s1, $0x11  }
0xba: {  	s0 =	sor.u32 s1, s0  }
0xbb: {  	s0 =	sadd.s32 $0x8F2B, s0  }
0xbc: {  	[sflag:s0] =	ssyncadd.remote.s32 $0x1  }
0xbd: {  	_ =	sfence.sel $0xFFFF  }
0xbe: {  	[dreg:$0x0] =	wrdreg $0xFFFFFFFF;
	(pc) =	sbr.abs _section_cstart, $3  }
0xbf: {  	[dreg:$0x1] =	wrdreg $0xFFFFFFFF  }
0xc0: {  	_ =	task.clear_ibuf [dreg:s6], $0x2FFFF;
	_ =	strace $0x9FFFFFFF  }
0xc1: {  	(tm) =	ssettm $0x7FFFFFFF  }
tec
execute0_lowered:
.L_overlay_start_1:
0x0: {  	(tag) =	ssettag $0x1  }
0x1: {  	s1 =	srdreg.scid;
	s0 =	stileid.u32  }
0x2: {  	s6 =	sand.u32 $0x1, s1;
	s30 =	sshll.u32 s0, $0x1  }
0x3: {  	s8 =	rddreg [dreg:$0x0];
	s7 =	sor.u32 s6, s30  }
0x4: {  	s2 =	simm.s32 $0x0;
	s1 =	rddreg [dreg:$0x1];
	s3 =	smul.u32 $0x60, s7  }
0x5: {  	[smem:$0x7FF] =	sst s2;
	s5 =	sadd.s32 $0x2A00, s8  }
0x6: {  	_ =	strace $0x80000047;
	s10 =	ssub.s32 $0x2, s6;
	s3 =	sadd.s32 s3, s8  }
0x7: {  	s6 =	simm.s32 $0x300;
	s4 =	sadd.s32 $0x1E00, s3;
	s3 =	simm.s32 $0x2  }
0x8: {  	[tilespmem:s2], [sflag:$0x2] =	stream.linear.gather [hbm4b:s4+s2], $0x300, $0x38;
	[tilespmem:$0x18300] =	vst v63  }
0x9: {  	s9 =	smul.u32 $0x3000, s7;
	s11 =	sshrl.u32 s10, $0x1;
	_ =	swait.ge [sflag:s3], $0x300  }
0xa: {  	s7 =	simm.s32 $0x1;
	s31 =	ssub.s32 s10, s11;
	[sflag:s3] =	ssyncset.done $0x0  }
0xb: {  	s8 =	sadd.s32 s9, s8;
	s9 =	smax.u32 s31, $0x1;
	[sflag:s3] =	ssyncadd.s32 $0xFFFFFD00  }
0xc: {  	[tilespmem:s6], [sflag:$0x1] =	stream.indirect.gather [hbm4b:s5+s6], $0x80, s2, s6, $0xb8;
	[tilespmem:$0x18300] =	vst v63  }
0xd: {  	p0 =	sne.s32 s9, $0x1;
	_ =	swait.ge [sflag:s7], $0x18000  }
.Ltmp0:
0xe: {  	[sflag:s7] =	ssyncset.done $0x0;
	(pc) =	sbr.rel @!p0 .LBB2_2-.Ltmp0, $4  }
0xf: {  	s8 =	sadd.s32 $0x2C00, s8;
	[sflag:s7] =	ssyncadd.s32 $0xFFFE8000  }
0x10: {  	[hbm4b:s8+s2] =	stream.linear.scatter [tilespmem:s6], [sflag:$0x2], $0x18000, $0x38;
	[tilespmem:$0x18300] =	vst v63  }
0x11: {  	_ =	swait.ge [sflag:s3], $0x18000  }
0x12: {  	s9 =	sadd.s32 $0xFFFFFFFF, s9;
	[sflag:s3] =	ssyncset.done $0x0  }
.LBB2_1:
0x13: {  	p0 =	sne.s32 s9, $0x1;
	s9 =	sadd.s32 $0xFFFFFFFF, s9;
	[sflag:s3] =	ssyncadd.s32 $0xFFFE8000  }
0x14: {  	[tilespmem:s2], [sflag:$0x2] =	stream.linear.gather [hbm4b:s4+s2], $0x300, $0x38;
	[tilespmem:$0x18300] =	vst v63  }
0x15: {  	_ =	swait.ge [sflag:s3], $0x300  }
0x16: {  	[sflag:s3] =	ssyncset.done $0x0  }
0x17: {  	[sflag:s3] =	ssyncadd.s32 $0xFFFFFD00  }
0x18: {  	[tilespmem:s6], [sflag:$0x1] =	stream.indirect.gather [hbm4b:s5+s6], $0x80, s2, s6, $0xb8;
	[tilespmem:$0x18300] =	vst v63  }
0x19: {  	_ =	swait.ge [sflag:s7], $0x18000  }
.Ltmp1:
0x1a: {  	[sflag:s7] =	ssyncset.done $0x0;
	(pc) =	sbr.rel @p0 .LBB2_1-.Ltmp1, $4  }
0x1b: {  	[sflag:s7] =	ssyncadd.s32 $0xFFFE8000  }
0x1c: {  	[hbm4b:s8+s2] =	stream.linear.scatter [tilespmem:s6], [sflag:$0x2], $0x18000, $0x38;
	[tilespmem:$0x18300] =	vst v63  }
0x1d: {  	_ =	swait.ge [sflag:s3], $0x18000  }
0x1e: {  	[sflag:s3] =	ssyncset.done $0x0  }
.LBB2_2:
0x1f: {  	[sflag:s3] =	ssyncadd.s32 $0xFFFE8000  }
0x20: {  	_ =	sfence.sel $0x180000  }
0x21: {  	[bflag:$0x0] =	sbarrier.arrive $0xFFFF  }
0x22: {  	p0 =	sne.s32 s0, $0x0;
	_ =	strace $0x90000047  }
0x23: {  	s0 =	sadd.s32 @!p0 $0x100000, s1;
	[bflag:$0x2] =	sbarrier.arrive $0xFFFF  }
0x24: {  	[sflag:s0] =	ssyncadd.tile.s32 @!p0 $0x1;
	_ =	shalt  }
.Lfunc_end2:
_tile_overlayer_lowered:
.L_overlay_start_2:
0x25: {  	(tag) =	ssettag $0x2  }
0x26: {  	s0 =	rddreg [dreg:$0x0];
	s2 =	stileid.u32  }
0x27: {  	s1 =	rddreg [dreg:$0x1];
	p0 =	sne.s32 s2, $0x0  }
0x28: {  	s3 =	rddreg [dreg:$0x2];
	[bflag:$0x3] =	sbarrier.arrive $0xFFFF;
	s2 =	simm.s32 @!p0 $0x1C02  }
0x29: {  	[timem:s3], [sflag:s2] =	dma.local @!p0 [hbm:s0], s1  }
0x2a: {  	s0 =	simm.s32 @!p0 $0x2  }
0x2b: {  	_ =	swait.ge @!p0 [sflag:s0], s1  }
0x2c: {  	s1 =	ssub.s32 @!p0 $0x0, s1;
	[sflag:s0] =	ssyncset.done @!p0 $0x0  }
0x2d: {  	[sflag:s0] =	ssyncadd.s32 @!p0 s1  }
0x2e: {  	[bflag:$0x3] =	sbarrier.arrive $0xFFFF  }
0x2f: {  	_ =	shalt  }

</sc_bundles>
